<compile_context>
chip_gen: v7x
topology: tpu7x:2x2x1
jax: 0.10.2.dev20260603
libtpu: 0.0.44.dev20260713+nightly
codegen_flags: <defaults>
</compile_context>

<pallas_src>
import functools

import jax
import jax.numpy as jnp
import numpy as np
from jax import lax
from jax.experimental import pallas as pl
from jax.experimental.pallas import tpu as pltpu
from jax.experimental.pallas import tpu_sc as plsc

BATCH = 1024
INPUT_SIZE = 1024
NUM_NEURONS = 4096

NC = 2
NS = 16
L = 16
NW = NC * NS
ROWS_PER_TILE = BATCH // NW
GROUP = 8
NGROUPS = ROWS_PER_TILE // GROUP
NCHUNK = NUM_NEURONS // L

_C_TABLE = np.array([
    [0, 0, 0, 0],
    [0, 0, 0, 1],
    [0, 1, 0, -1],
    [0, 1, 0, 0],
    [0, 0, 1, -1],
    [0, 0, 1, 0],
    [0, 1, 1, -2],
    [0, 1, 1, -1],
    [1, -1, -1, 1],
    [1, -1, -1, 2],
    [1, 0, -1, 0],
    [1, 0, -1, 1],
    [1, -1, 0, 0],
    [1, -1, 0, 1],
    [1, 0, 0, -1],
    [1, 0, 0, 0],
], dtype=np.float32)


def _coef_body(gwt_ref, idxt_ref, ct_ref, coef_ref, ia_ref, ib_ref,
               coef_v, ia_v, ib_v, sem_cf, sem_ia, sem_ib):
    gw = gwt_ref[...]
    m = jnp.max(gw, axis=0, keepdims=True)
    e = jnp.exp(gw - m)
    s = jnp.sum(e, axis=0, keepdims=True)
    sw = e / s
    k4 = lax.dot_general(
        ct_ref[...], sw,
        dimension_numbers=(((1,), (0,)), ((), ())),
        preferred_element_type=jnp.float32)
    coef_v[...] = jnp.concatenate(
        [k4, jnp.zeros((4, NUM_NEURONS), jnp.float32)], axis=0)
    ia_v[...] = idxt_ref[0, :]
    ib_v[...] = idxt_ref[1, :]
    d_cf = pltpu.async_copy(coef_v, coef_ref, sem_cf)
    d_ia = pltpu.async_copy(ia_v, ia_ref, sem_ia)
    d_ib = pltpu.async_copy(ib_v, ib_ref, sem_ib)
    d_cf.wait()
    d_ia.wait()
    d_ib.wait()


def _sc_body(x_hbm, ia_hbm, ib_hbm, coef_hbm, out_hbm,
             ia_v, ib_v, coef_v, rows0_v, rows1_v, out0_v, out1_v,
             sem_ia, sem_ib, sem_cf, sem_r0, sem_r1, sem_o0, sem_o1):
    wid = lax.axis_index("s") * NC + lax.axis_index("c")
    row0 = wid * ROWS_PER_TILE
    rows_bufs = [rows0_v, rows1_v]
    out_bufs = [out0_v, out1_v]
    rows_sems = [sem_r0, sem_r1]
    out_sems = [sem_o0, sem_o1]

    d_ia = pltpu.async_copy(ia_hbm, ia_v, sem_ia)
    d_ib = pltpu.async_copy(ib_hbm, ib_v, sem_ib)
    d_cf = pltpu.async_copy(coef_hbm, coef_v, sem_cf)
    d_rows = [None, None]
    d_rows[0] = pltpu.async_copy(
        x_hbm.at[pl.ds(row0, GROUP)], rows0_v, sem_r0)
    d_out = [None, None]
    d_ia.wait()
    d_ib.wait()
    d_cf.wait()

    for g in range(NGROUPS):
        cur = g % 2
        nxt = 1 - cur
        base = row0 + g * GROUP
        d_rows[cur].wait()
        if g + 1 < NGROUPS:
            d_rows[nxt] = pltpu.async_copy(
                x_hbm.at[pl.ds(base + GROUP, GROUP)],
                rows_bufs[nxt], rows_sems[nxt])
        if d_out[cur] is not None:
            d_out[cur].wait()
        rows_v = rows_bufs[cur]
        out_v = out_bufs[cur]

        @plsc.parallel_loop(0, NCHUNK, unroll=2)
        def _chunk(c):
            off = c * L
            ia16 = ia_v[pl.ds(off, L)]
            ib16 = ib_v[pl.ds(off, L)]
            k0 = coef_v[0, pl.ds(off, L)]
            ka = coef_v[1, pl.ds(off, L)]
            kb = coef_v[2, pl.ds(off, L)]
            kab = coef_v[3, pl.ds(off, L)]
            avs = []
            bvs = []
            for r in range(GROUP):
                r16 = jnp.full((L,), r, jnp.int32)
                avs.append(plsc.load_gather(rows_v, [r16, ia16]))
                bvs.append(plsc.load_gather(rows_v, [r16, ib16]))
            for r in range(GROUP):
                a = avs[r]
                b = bvs[r]
                out_v[r, pl.ds(off, L)] = (k0 + a * ka) + b * (kb + a * kab)

        d_out[cur] = pltpu.async_copy(
            out_v, out_hbm.at[pl.ds(base, GROUP)], out_sems[cur])

    d_out[0].wait()
    d_out[1].wait()


_sc_kernel = functools.partial(
    pl.kernel,
    out_type=jax.ShapeDtypeStruct((BATCH, NUM_NEURONS), jnp.float32),
    mesh=plsc.VectorSubcoreMesh(core_axis_name="c", subcore_axis_name="s",
                                num_cores=NC, num_subcores=NS),
    scratch_types=[
        pltpu.VMEM((NUM_NEURONS,), jnp.int32),
        pltpu.VMEM((NUM_NEURONS,), jnp.int32),
        pltpu.VMEM((8, NUM_NEURONS), jnp.float32),
        pltpu.VMEM((GROUP, INPUT_SIZE), jnp.float32),
        pltpu.VMEM((GROUP, INPUT_SIZE), jnp.float32),
        pltpu.VMEM((GROUP, NUM_NEURONS), jnp.float32),
        pltpu.VMEM((GROUP, NUM_NEURONS), jnp.float32),
        pltpu.SemaphoreType.DMA,
        pltpu.SemaphoreType.DMA,
        pltpu.SemaphoreType.DMA,
        pltpu.SemaphoreType.DMA,
        pltpu.SemaphoreType.DMA,
        pltpu.SemaphoreType.DMA,
        pltpu.SemaphoreType.DMA,
    ],
    compiler_params=pltpu.CompilerParams(use_tc_tiling_on_sc=True,
                                         needs_layout_passes=False),
)(_sc_body)


def kernel(x, input_idx, gate_weights):
    ct = jnp.asarray(_C_TABLE.T)
    coef, ia, ib = pl.pallas_call(
        _coef_body,
        out_shape=[
            jax.ShapeDtypeStruct((8, NUM_NEURONS), jnp.float32),
            jax.ShapeDtypeStruct((NUM_NEURONS,), jnp.int32),
            jax.ShapeDtypeStruct((NUM_NEURONS,), jnp.int32),
        ],
        out_specs=[
            pl.BlockSpec(memory_space=pl.ANY),
            pl.BlockSpec(memory_space=pl.ANY),
            pl.BlockSpec(memory_space=pl.ANY),
        ],
        scratch_shapes=[
            pltpu.VMEM((8, NUM_NEURONS), jnp.float32),
            pltpu.VMEM((NUM_NEURONS,), jnp.int32),
            pltpu.VMEM((NUM_NEURONS,), jnp.int32),
            pltpu.SemaphoreType.DMA,
            pltpu.SemaphoreType.DMA,
            pltpu.SemaphoreType.DMA,
        ],
    )(gate_weights.T, input_idx.T, ct)
    return _sc_kernel(x, ia, ib, coef)

# --- scband reference (transcript-rebuilt; emitter-appended) ---
"""Pipeline reference for scband-logic-gate-layer-42288247996562 (READ-ONLY COPY).

The authoritative reference and input builder live on the scoring server;
editing this copy changes nothing except your own understanding.
"""

import jax, jax.numpy as jnp
import numpy as np

TAU = 1.0
BATCH = 1024
INPUT_SIZE = 1024
NUM_NEURONS = 4096


def all_logic_ops(a, b):
    # Real-valued relaxation of all 16 binary logic gates (difflogic convention).
    ab = a * b
    one = jnp.ones_like(a)
    zero = jnp.zeros_like(a)
    ops = jnp.stack([
        zero,                    # FALSE
        ab,                      # AND
        a - ab,                  # A AND NOT B
        a,                       # A
        b - ab,                  # NOT A AND B
        b,                       # B
        a + b - 2.0 * ab,        # XOR
        a + b - ab,              # OR
        one - (a + b - ab),      # NOR
        one - (a + b - 2.0 * ab),# XNOR
        one - b,                 # NOT B
        one - b + ab,            # A OR NOT B
        one - a,                 # NOT A
        one - a + ab,            # NOT A OR B
        one - ab,                # NAND
        one,                     # TRUE
    ], axis=1)  # [batch, 16, num_neurons]
    return ops


def setup_inputs(seed: int = 0) -> dict:
    key = jax.random.key(seed)
    k1, k2, k3 = jax.random.split(key, 3)
    x = jax.random.uniform(k1, (BATCH, INPUT_SIZE), dtype=jnp.float32)
    # stateful buffer in the torch module: random wiring of each gate's two inputs
    input_idx = jax.random.randint(k2, (NUM_NEURONS, 2), 0, INPUT_SIZE, dtype=jnp.int32)
    # learned parameter: per-gate logits over the 16 logic ops
    gate_weights = jax.random.normal(k3, (NUM_NEURONS, 16), dtype=jnp.float32)
    return {"x": x, "input_idx": input_idx, "gate_weights": gate_weights}


def reference(x, input_idx, gate_weights):
    # gather the two wired inputs for every gate
    a = jnp.take(x, input_idx[:, 0], axis=1)  # [batch, num_neurons]
    b = jnp.take(x, input_idx[:, 1], axis=1)  # [batch, num_neurons]
    ops = jnp.transpose(all_logic_ops(a, b), (0, 2, 1))  # [batch, num_neurons, 16]
    soft_weights = jax.nn.softmax(gate_weights / TAU, axis=1)  # [num_neurons, 16]
    soft_weights = soft_weights[None, :, :]  # [1, num_neurons, 16]
    out = jnp.sum(soft_weights * ops, axis=2)  # [batch, num_neurons]
    return out

if __name__ == "__main__":
    import jax
    _d = setup_inputs()
    print(jax.jit(kernel)(*tuple(_d.values())))

</pallas_src>

<mosaic_0001>
#map = affine_map<(d0, d1) -> (0, 0)>
#map1 = affine_map<(d0, d1) -> (0)>
module attributes {stable_mosaic.version = 14 : i64} {
  func.func @_sc_body(%arg0: i32, %arg1: i32, %arg2: memref<1024x1024xf32, #tpu.memory_space<hbm>>, %arg3: memref<4096xi32, #tpu.memory_space<hbm>>, %arg4: memref<4096xi32, #tpu.memory_space<hbm>>, %arg5: memref<8x4096xf32, #tpu.memory_space<hbm>>, %arg6: memref<1024x4096xf32, #tpu.memory_space<hbm>>, %arg7: memref<4096xi32, #tpu.memory_space<vmem>>, %arg8: memref<4096xi32, #tpu.memory_space<vmem>>, %arg9: memref<8x4096xf32, #tpu.memory_space<vmem>>, %arg10: memref<8x1024xf32, #tpu.memory_space<vmem>>, %arg11: memref<8x1024xf32, #tpu.memory_space<vmem>>, %arg12: memref<8x4096xf32, #tpu.memory_space<vmem>>, %arg13: memref<8x4096xf32, #tpu.memory_space<vmem>>, %arg14: memref<!tpu.dma_semaphore, #tpu.memory_space<semaphore_mem>>, %arg15: memref<!tpu.dma_semaphore, #tpu.memory_space<semaphore_mem>>, %arg16: memref<!tpu.dma_semaphore, #tpu.memory_space<semaphore_mem>>, %arg17: memref<!tpu.dma_semaphore, #tpu.memory_space<semaphore_mem>>, %arg18: memref<!tpu.dma_semaphore, #tpu.memory_space<semaphore_mem>>, %arg19: memref<!tpu.dma_semaphore, #tpu.memory_space<semaphore_mem>>, %arg20: memref<!tpu.dma_semaphore, #tpu.memory_space<semaphore_mem>>) attributes {dimension_semantics = [#tpu.dimension_semantics<core_parallel>, #tpu.dimension_semantics<subcore_parallel>], iteration_bounds = array<i64: 2, 16>, scalar_prefetch = 0 : i64, scratch_operands = 14 : i64, tpu.core_type = #tpu.core_type<sc_vector_subcore>, window_params = [{transform_indices = #map}, {transform_indices = #map1}, {transform_indices = #map1}, {transform_indices = #map}, {transform_indices = #map}]} {
    %mul3A = arith.constant 2 : i32
    %mul3A_0 = arith.muli %arg1, %mul3A : i32
    %add3A = arith.addi %mul3A_0, %arg0 : i32
    %mul3A_1 = arith.constant 32 : i32
    %mul3A_2 = arith.muli %add3A, %mul3A_1 : i32
    tpu.enqueue_dma source(%arg3 : memref<4096xi32, #tpu.memory_space<hbm>>) target(%arg7 : memref<4096xi32, #tpu.memory_space<vmem>>) target_semaphore(%arg14 : memref<!tpu.dma_semaphore, #tpu.memory_space<semaphore_mem>>)
    tpu.enqueue_dma source(%arg4 : memref<4096xi32, #tpu.memory_space<hbm>>) target(%arg8 : memref<4096xi32, #tpu.memory_space<vmem>>) target_semaphore(%arg15 : memref<!tpu.dma_semaphore, #tpu.memory_space<semaphore_mem>>)
    tpu.enqueue_dma source(%arg5 : memref<8x4096xf32, #tpu.memory_space<hbm>>) target(%arg9 : memref<8x4096xf32, #tpu.memory_space<vmem>>) target_semaphore(%arg16 : memref<!tpu.dma_semaphore, #tpu.memory_space<semaphore_mem>>)
    %dma_start3A = arith.constant 0 : i32
    %dma_start3A_3 = tpu.memref_slice %arg2[%mul3A_2, %dma_start3A] : memref<1024x1024xf32, #tpu.memory_space<hbm>> -> memref<8x1024xf32, #tpu.memory_space<hbm>>
    %dma_start3A_4 = arith.constant 0 : i32
    %dma_start3A_5 = tpu.memref_slice %arg2[%mul3A_2, %dma_start3A_4] : memref<1024x1024xf32, #tpu.memory_space<hbm>> -> memref<8x1024xf32, #tpu.memory_space<hbm>>
    tpu.enqueue_dma source(%dma_start3A_5 : memref<8x1024xf32, #tpu.memory_space<hbm>>) target(%arg10 : memref<8x1024xf32, #tpu.memory_space<vmem>>) target_semaphore(%arg17 : memref<!tpu.dma_semaphore, #tpu.memory_space<semaphore_mem>>)
    tpu.wait_dma2 semaphore(%arg14 : memref<!tpu.dma_semaphore, #tpu.memory_space<semaphore_mem>>) src(%arg3 : memref<4096xi32, #tpu.memory_space<hbm>>) dst(%arg7 : memref<4096xi32, #tpu.memory_space<vmem>>)
    tpu.wait_dma2 semaphore(%arg15 : memref<!tpu.dma_semaphore, #tpu.memory_space<semaphore_mem>>) src(%arg4 : memref<4096xi32, #tpu.memory_space<hbm>>) dst(%arg8 : memref<4096xi32, #tpu.memory_space<vmem>>)
    tpu.wait_dma2 semaphore(%arg16 : memref<!tpu.dma_semaphore, #tpu.memory_space<semaphore_mem>>) src(%arg5 : memref<8x4096xf32, #tpu.memory_space<hbm>>) dst(%arg9 : memref<8x4096xf32, #tpu.memory_space<vmem>>)
    %add3A_6 = arith.constant 0 : i32
    %add3A_7 = arith.addi %mul3A_2, %add3A_6 : i32
    %dma_wait3A = arith.constant 0 : i32
    %dma_wait3A_8 = tpu.memref_slice %arg2[%mul3A_2, %dma_wait3A] : memref<1024x1024xf32, #tpu.memory_space<hbm>> -> memref<8x1024xf32, #tpu.memory_space<hbm>>
    %dma_wait3A_9 = arith.constant 0 : i32
    %dma_wait3A_10 = tpu.memref_slice %arg2[%mul3A_2, %dma_wait3A_9] : memref<1024x1024xf32, #tpu.memory_space<hbm>> -> memref<8x1024xf32, #tpu.memory_space<hbm>>
    tpu.wait_dma2 semaphore(%arg17 : memref<!tpu.dma_semaphore, #tpu.memory_space<semaphore_mem>>) src(%dma_wait3A_10 : memref<8x1024xf32, #tpu.memory_space<hbm>>) dst(%arg10 : memref<8x1024xf32, #tpu.memory_space<vmem>>)
    %add3A_11 = arith.constant 8 : i32
    %add3A_12 = arith.addi %add3A_7, %add3A_11 : i32
    %dma_start3A_13 = arith.constant 0 : i32
    %dma_start3A_14 = tpu.memref_slice %arg2[%add3A_12, %dma_start3A_13] : memref<1024x1024xf32, #tpu.memory_space<hbm>> -> memref<8x1024xf32, #tpu.memory_space<hbm>>
    %dma_start3A_15 = arith.constant 0 : i32
    %dma_start3A_16 = tpu.memref_slice %arg2[%add3A_12, %dma_start3A_15] : memref<1024x1024xf32, #tpu.memory_space<hbm>> -> memref<8x1024xf32, #tpu.memory_space<hbm>>
    tpu.enqueue_dma source(%dma_start3A_16 : memref<8x1024xf32, #tpu.memory_space<hbm>>) target(%arg11 : memref<8x1024xf32, #tpu.memory_space<vmem>>) target_semaphore(%arg18 : memref<!tpu.dma_semaphore, #tpu.memory_space<semaphore_mem>>)
    %parallel_loop3A = arith.constant 0 : i32
    %parallel_loop3A_17 = arith.constant 256 : i32
    %parallel_loop3A_18 = arith.constant 1 : i32
    scf.for %parallel_loop3A_90 = %parallel_loop3A to %parallel_loop3A_17 step %parallel_loop3A_18  : i32 {
      %parallel_loop3A_91 = arith.constant 16 : i32
      %parallel_loop3A_92 = arith.muli %parallel_loop3A_90, %parallel_loop3A_91 : i32
      %parallel_loop3A_93 = arith.index_cast %parallel_loop3A_92 : i32 to index
      %parallel_loop3A_94 = tpu.vector_load %arg7[%parallel_loop3A_93] {strides = array<i32>} : memref<4096xi32, #tpu.memory_space<vmem>>, vector<16xi32>,
      %parallel_loop3A_95 = arith.index_cast %parallel_loop3A_92 : i32 to index
      %parallel_loop3A_96 = tpu.vector_load %arg8[%parallel_loop3A_95] {strides = array<i32>} : memref<4096xi32, #tpu.memory_space<vmem>>, vector<16xi32>,
      %parallel_loop3A_97 = arith.constant 0 : i32
      %parallel_loop3A_98 = arith.index_cast %parallel_loop3A_97 : i32 to index
      %parallel_loop3A_99 = arith.index_cast %parallel_loop3A_92 : i32 to index
      %parallel_loop3A_100 = tpu.vector_load %arg9[%parallel_loop3A_98, %parallel_loop3A_99] {strides = array<i32>} : memref<8x4096xf32, #tpu.memory_space<vmem>>, vector<16xf32>,
      %parallel_loop3A_101 = arith.constant 1 : i32
      %parallel_loop3A_102 = arith.index_cast %parallel_loop3A_101 : i32 to index
      %parallel_loop3A_103 = arith.index_cast %parallel_loop3A_92 : i32 to index
      %parallel_loop3A_104 = tpu.vector_load %arg9[%parallel_loop3A_102, %parallel_loop3A_103] {strides = array<i32>} : memref<8x4096xf32, #tpu.memory_space<vmem>>, vector<16xf32>,
      %parallel_loop3A_105 = arith.constant 2 : i32
      %parallel_loop3A_106 = arith.index_cast %parallel_loop3A_105 : i32 to index
      %parallel_loop3A_107 = arith.index_cast %parallel_loop3A_92 : i32 to index
      %parallel_loop3A_108 = tpu.vector_load %arg9[%parallel_loop3A_106, %parallel_loop3A_107] {strides = array<i32>} : memref<8x4096xf32, #tpu.memory_space<vmem>>, vector<16xf32>,
      %parallel_loop3A_109 = arith.constant 3 : i32
      %parallel_loop3A_110 = arith.index_cast %parallel_loop3A_109 : i32 to index
      %parallel_loop3A_111 = arith.index_cast %parallel_loop3A_92 : i32 to index
      %parallel_loop3A_112 = tpu.vector_load %arg9[%parallel_loop3A_110, %parallel_loop3A_111] {strides = array<i32>} : memref<8x4096xf32, #tpu.memory_space<vmem>>, vector<16xf32>,
      %parallel_loop3A_113 = arith.constant 0 : i32
      %parallel_loop3A_114 = vector.broadcast %parallel_loop3A_113 : i32 to vector<16xi32>
      %parallel_loop3A_115 = tpu.vector_load_idx %arg10[%parallel_loop3A_114, %parallel_loop3A_94] : memref<8x1024xf32, #tpu.memory_space<vmem>>[vector<16xi32>, vector<16xi32>], vector<16xf32>,
      %parallel_loop3A_116 = tpu.vector_load_idx %arg10[%parallel_loop3A_114, %parallel_loop3A_96] : memref<8x1024xf32, #tpu.memory_space<vmem>>[vector<16xi32>, vector<16xi32>], vector<16xf32>,
      %parallel_loop3A_117 = arith.constant 1 : i32
      %parallel_loop3A_118 = vector.broadcast %parallel_loop3A_117 : i32 to vector<16xi32>
      %parallel_loop3A_119 = tpu.vector_load_idx %arg10[%parallel_loop3A_118, %parallel_loop3A_94] : memref<8x1024xf32, #tpu.memory_space<vmem>>[vector<16xi32>, vector<16xi32>], vector<16xf32>,
      %parallel_loop3A_120 = tpu.vector_load_idx %arg10[%parallel_loop3A_118, %parallel_loop3A_96] : memref<8x1024xf32, #tpu.memory_space<vmem>>[vector<16xi32>, vector<16xi32>], vector<16xf32>,
      %parallel_loop3A_121 = arith.constant 2 : i32
      %parallel_loop3A_122 = vector.broadcast %parallel_loop3A_121 : i32 to vector<16xi32>
      %parallel_loop3A_123 = tpu.vector_load_idx %arg10[%parallel_loop3A_122, %parallel_loop3A_94] : memref<8x1024xf32, #tpu.memory_space<vmem>>[vector<16xi32>, vector<16xi32>], vector<16xf32>,
      %parallel_loop3A_124 = tpu.vector_load_idx %arg10[%parallel_loop3A_122, %parallel_loop3A_96] : memref<8x1024xf32, #tpu.memory_space<vmem>>[vector<16xi32>, vector<16xi32>], vector<16xf32>,
      %parallel_loop3A_125 = arith.constant 3 : i32
      %parallel_loop3A_126 = vector.broadcast %parallel_loop3A_125 : i32 to vector<16xi32>
      %parallel_loop3A_127 = tpu.vector_load_idx %arg10[%parallel_loop3A_126, %parallel_loop3A_94] : memref<8x1024xf32, #tpu.memory_space<vmem>>[vector<16xi32>, vector<16xi32>], vector<16xf32>,
      %parallel_loop3A_128 = tpu.vector_load_idx %arg10[%parallel_loop3A_126, %parallel_loop3A_96] : memref<8x1024xf32, #tpu.memory_space<vmem>>[vector<16xi32>, vector<16xi32>], vector<16xf32>,
      %parallel_loop3A_129 = arith.constant 4 : i32
      %parallel_loop3A_130 = vector.broadcast %parallel_loop3A_129 : i32 to vector<16xi32>
      %parallel_loop3A_131 = tpu.vector_load_idx %arg10[%parallel_loop3A_130, %parallel_loop3A_94] : memref<8x1024xf32, #tpu.memory_space<vmem>>[vector<16xi32>, vector<16xi32>], vector<16xf32>,
      %parallel_loop3A_132 = tpu.vector_load_idx %arg10[%parallel_loop3A_130, %parallel_loop3A_96] : memref<8x1024xf32, #tpu.memory_space<vmem>>[vector<16xi32>, vector<16xi32>], vector<16xf32>,
      %parallel_loop3A_133 = arith.constant 5 : i32
      %parallel_loop3A_134 = vector.broadcast %parallel_loop3A_133 : i32 to vector<16xi32>
      %parallel_loop3A_135 = tpu.vector_load_idx %arg10[%parallel_loop3A_134, %parallel_loop3A_94] : memref<8x1024xf32, #tpu.memory_space<vmem>>[vector<16xi32>, vector<16xi32>], vector<16xf32>,
      %parallel_loop3A_136 = tpu.vector_load_idx %arg10[%parallel_loop3A_134, %parallel_loop3A_96] : memref<8x1024xf32, #tpu.memory_space<vmem>>[vector<16xi32>, vector<16xi32>], vector<16xf32>,
      %parallel_loop3A_137 = arith.constant 6 : i32
      %parallel_loop3A_138 = vector.broadcast %parallel_loop3A_137 : i32 to vector<16xi32>
      %parallel_loop3A_139 = tpu.vector_load_idx %arg10[%parallel_loop3A_138, %parallel_loop3A_94] : memref<8x1024xf32, #tpu.memory_space<vmem>>[vector<16xi32>, vector<16xi32>], vector<16xf32>,
      %parallel_loop3A_140 = tpu.vector_load_idx %arg10[%parallel_loop3A_138, %parallel_loop3A_96] : memref<8x1024xf32, #tpu.memory_space<vmem>>[vector<16xi32>, vector<16xi32>], vector<16xf32>,
      %parallel_loop3A_141 = arith.constant 7 : i32
      %parallel_loop3A_142 = vector.broadcast %parallel_loop3A_141 : i32 to vector<16xi32>
      %parallel_loop3A_143 = tpu.vector_load_idx %arg10[%parallel_loop3A_142, %parallel_loop3A_94] : memref<8x1024xf32, #tpu.memory_space<vmem>>[vector<16xi32>, vector<16xi32>], vector<16xf32>,
      %parallel_loop3A_144 = tpu.vector_load_idx %arg10[%parallel_loop3A_142, %parallel_loop3A_96] : memref<8x1024xf32, #tpu.memory_space<vmem>>[vector<16xi32>, vector<16xi32>], vector<16xf32>,
      %parallel_loop3A_145 = arith.mulf %parallel_loop3A_115, %parallel_loop3A_104 : vector<16xf32>
      %parallel_loop3A_146 = arith.addf %parallel_loop3A_100, %parallel_loop3A_145 : vector<16xf32>
      %parallel_loop3A_147 = arith.mulf %parallel_loop3A_115, %parallel_loop3A_112 : vector<16xf32>
      %parallel_loop3A_148 = arith.addf %parallel_loop3A_108, %parallel_loop3A_147 : vector<16xf32>
      %parallel_loop3A_149 = arith.mulf %parallel_loop3A_116, %parallel_loop3A_148 : vector<16xf32>
      %parallel_loop3A_150 = arith.addf %parallel_loop3A_146, %parallel_loop3A_149 : vector<16xf32>
      %parallel_loop3A_151 = arith.constant 0 : i32
      %parallel_loop3A_152 = arith.index_cast %parallel_loop3A_151 : i32 to index
      %parallel_loop3A_153 = arith.index_cast %parallel_loop3A_92 : i32 to index
      %parallel_loop3A_154 = tpu.vector_load %arg12[%parallel_loop3A_152, %parallel_loop3A_153] {strides = array<i32>} : memref<8x4096xf32, #tpu.memory_space<vmem>>, vector<16xf32>,
      tpu.vector_store %arg12[%parallel_loop3A_152, %parallel_loop3A_153], %parallel_loop3A_150 {strides = array<i32>} : memref<8x4096xf32, #tpu.memory_space<vmem>>, vector<16xf32>,
      %parallel_loop3A_155 = arith.mulf %parallel_loop3A_119, %parallel_loop3A_104 : vector<16xf32>
      %parallel_loop3A_156 = arith.addf %parallel_loop3A_100, %parallel_loop3A_155 : vector<16xf32>
      %parallel_loop3A_157 = arith.mulf %parallel_loop3A_119, %parallel_loop3A_112 : vector<16xf32>
      %parallel_loop3A_158 = arith.addf %parallel_loop3A_108, %parallel_loop3A_157 : vector<16xf32>
      %parallel_loop3A_159 = arith.mulf %parallel_loop3A_120, %parallel_loop3A_158 : vector<16xf32>
      %parallel_loop3A_160 = arith.addf %parallel_loop3A_156, %parallel_loop3A_159 : vector<16xf32>
      %parallel_loop3A_161 = arith.constant 1 : i32
      %parallel_loop3A_162 = arith.index_cast %parallel_loop3A_161 : i32 to index
      %parallel_loop3A_163 = arith.index_cast %parallel_loop3A_92 : i32 to index
      %parallel_loop3A_164 = tpu.vector_load %arg12[%parallel_loop3A_162, %parallel_loop3A_163] {strides = array<i32>} : memref<8x4096xf32, #tpu.memory_space<vmem>>, vector<16xf32>,
      tpu.vector_store %arg12[%parallel_loop3A_162, %parallel_loop3A_163], %parallel_loop3A_160 {strides = array<i32>} : memref<8x4096xf32, #tpu.memory_space<vmem>>, vector<16xf32>,
      %parallel_loop3A_165 = arith.mulf %parallel_loop3A_123, %parallel_loop3A_104 : vector<16xf32>
      %parallel_loop3A_166 = arith.addf %parallel_loop3A_100, %parallel_loop3A_165 : vector<16xf32>
      %parallel_loop3A_167 = arith.mulf %parallel_loop3A_123, %parallel_loop3A_112 : vector<16xf32>
      %parallel_loop3A_168 = arith.addf %parallel_loop3A_108, %parallel_loop3A_167 : vector<16xf32>
      %parallel_loop3A_169 = arith.mulf %parallel_loop3A_124, %parallel_loop3A_168 : vector<16xf32>
      %parallel_loop3A_170 = arith.addf %parallel_loop3A_166, %parallel_loop3A_169 : vector<16xf32>
      %parallel_loop3A_171 = arith.constant 2 : i32
      %parallel_loop3A_172 = arith.index_cast %parallel_loop3A_171 : i32 to index
      %parallel_loop3A_173 = arith.index_cast %parallel_loop3A_92 : i32 to index
      %parallel_loop3A_174 = tpu.vector_load %arg12[%parallel_loop3A_172, %parallel_loop3A_173] {strides = array<i32>} : memref<8x4096xf32, #tpu.memory_space<vmem>>, vector<16xf32>,
      tpu.vector_store %arg12[%parallel_loop3A_172, %parallel_loop3A_173], %parallel_loop3A_170 {strides = array<i32>} : memref<8x4096xf32, #tpu.memory_space<vmem>>, vector<16xf32>,
      %parallel_loop3A_175 = arith.mulf %parallel_loop3A_127, %parallel_loop3A_104 : vector<16xf32>
      %parallel_loop3A_176 = arith.addf %parallel_loop3A_100, %parallel_loop3A_175 : vector<16xf32>
      %parallel_loop3A_177 = arith.mulf %parallel_loop3A_127, %parallel_loop3A_112 : vector<16xf32>
      %parallel_loop3A_178 = arith.addf %parallel_loop3A_108, %parallel_loop3A_177 : vector<16xf32>
      %parallel_loop3A_179 = arith.mulf %parallel_loop3A_128, %parallel_loop3A_178 : vector<16xf32>
      %parallel_loop3A_180 = arith.addf %parallel_loop3A_176, %parallel_loop3A_179 : vector<16xf32>
      %parallel_loop3A_181 = arith.constant 3 : i32
      %parallel_loop3A_182 = arith.index_cast %parallel_loop3A_181 : i32 to index
      %parallel_loop3A_183 = arith.index_cast %parallel_loop3A_92 : i32 to index
      %parallel_loop3A_184 = tpu.vector_load %arg12[%parallel_loop3A_182, %parallel_loop3A_183] {strides = array<i32>} : memref<8x4096xf32, #tpu.memory_space<vmem>>, vector<16xf32>,
      tpu.vector_store %arg12[%parallel_loop3A_182, %parallel_loop3A_183], %parallel_loop3A_180 {strides = array<i32>} : memref<8x4096xf32, #tpu.memory_space<vmem>>, vector<16xf32>,
      %parallel_loop3A_185 = arith.mulf %parallel_loop3A_131, %parallel_loop3A_104 : vector<16xf32>
      %parallel_loop3A_186 = arith.addf %parallel_loop3A_100, %parallel_loop3A_185 : vector<16xf32>
      %parallel_loop3A_187 = arith.mulf %parallel_loop3A_131, %parallel_loop3A_112 : vector<16xf32>
      %parallel_loop3A_188 = arith.addf %parallel_loop3A_108, %parallel_loop3A_187 : vector<16xf32>
      %parallel_loop3A_189 = arith.mulf %parallel_loop3A_132, %parallel_loop3A_188 : vector<16xf32>
      %parallel_loop3A_190 = arith.addf %parallel_loop3A_186, %parallel_loop3A_189 : vector<16xf32>
      %parallel_loop3A_191 = arith.constant 4 : i32
      %parallel_loop3A_192 = arith.index_cast %parallel_loop3A_191 : i32 to index
      %parallel_loop3A_193 = arith.index_cast %parallel_loop3A_92 : i32 to index
      %parallel_loop3A_194 = tpu.vector_load %arg12[%parallel_loop3A_192, %parallel_loop3A_193] {strides = array<i32>} : memref<8x4096xf32, #tpu.memory_space<vmem>>, vector<16xf32>,
      tpu.vector_store %arg12[%parallel_loop3A_192, %parallel_loop3A_193], %parallel_loop3A_190 {strides = array<i32>} : memref<8x4096xf32, #tpu.memory_space<vmem>>, vector<16xf32>,
      %parallel_loop3A_195 = arith.mulf %parallel_loop3A_135, %parallel_loop3A_104 : vector<16xf32>
      %parallel_loop3A_196 = arith.addf %parallel_loop3A_100, %parallel_loop3A_195 : vector<16xf32>
      %parallel_loop3A_197 = arith.mulf %parallel_loop3A_135, %parallel_loop3A_112 : vector<16xf32>
      %parallel_loop3A_198 = arith.addf %parallel_loop3A_108, %parallel_loop3A_197 : vector<16xf32>
      %parallel_loop3A_199 = arith.mulf %parallel_loop3A_136, %parallel_loop3A_198 : vector<16xf32>
      %parallel_loop3A_200 = arith.addf %parallel_loop3A_196, %parallel_loop3A_199 : vector<16xf32>
      %parallel_loop3A_201 = arith.constant 5 : i32
      %parallel_loop3A_202 = arith.index_cast %parallel_loop3A_201 : i32 to index
      %parallel_loop3A_203 = arith.index_cast %parallel_loop3A_92 : i32 to index
      %parallel_loop3A_204 = tpu.vector_load %arg12[%parallel_loop3A_202, %parallel_loop3A_203] {strides = array<i32>} : memref<8x4096xf32, #tpu.memory_space<vmem>>, vector<16xf32>,
      tpu.vector_store %arg12[%parallel_loop3A_202, %parallel_loop3A_203], %parallel_loop3A_200 {strides = array<i32>} : memref<8x4096xf32, #tpu.memory_space<vmem>>, vector<16xf32>,
      %parallel_loop3A_205 = arith.mulf %parallel_loop3A_139, %parallel_loop3A_104 : vector<16xf32>
      %parallel_loop3A_206 = arith.addf %parallel_loop3A_100, %parallel_loop3A_205 : vector<16xf32>
      %parallel_loop3A_207 = arith.mulf %parallel_loop3A_139, %parallel_loop3A_112 : vector<16xf32>
      %parallel_loop3A_208 = arith.addf %parallel_loop3A_108, %parallel_loop3A_207 : vector<16xf32>
      %parallel_loop3A_209 = arith.mulf %parallel_loop3A_140, %parallel_loop3A_208 : vector<16xf32>
      %parallel_loop3A_210 = arith.addf %parallel_loop3A_206, %parallel_loop3A_209 : vector<16xf32>
      %parallel_loop3A_211 = arith.constant 6 : i32
      %parallel_loop3A_212 = arith.index_cast %parallel_loop3A_211 : i32 to index
      %parallel_loop3A_213 = arith.index_cast %parallel_loop3A_92 : i32 to index
      %parallel_loop3A_214 = tpu.vector_load %arg12[%parallel_loop3A_212, %parallel_loop3A_213] {strides = array<i32>} : memref<8x4096xf32, #tpu.memory_space<vmem>>, vector<16xf32>,
      tpu.vector_store %arg12[%parallel_loop3A_212, %parallel_loop3A_213], %parallel_loop3A_210 {strides = array<i32>} : memref<8x4096xf32, #tpu.memory_space<vmem>>, vector<16xf32>,
      %parallel_loop3A_215 = arith.mulf %parallel_loop3A_143, %parallel_loop3A_104 : vector<16xf32>
      %parallel_loop3A_216 = arith.addf %parallel_loop3A_100, %parallel_loop3A_215 : vector<16xf32>
      %parallel_loop3A_217 = arith.mulf %parallel_loop3A_143, %parallel_loop3A_112 : vector<16xf32>
      %parallel_loop3A_218 = arith.addf %parallel_loop3A_108, %parallel_loop3A_217 : vector<16xf32>
      %parallel_loop3A_219 = arith.mulf %parallel_loop3A_144, %parallel_loop3A_218 : vector<16xf32>
      %parallel_loop3A_220 = arith.addf %parallel_loop3A_216, %parallel_loop3A_219 : vector<16xf32>
      %parallel_loop3A_221 = arith.constant 7 : i32
      %parallel_loop3A_222 = arith.index_cast %parallel_loop3A_221 : i32 to index
      %parallel_loop3A_223 = arith.index_cast %parallel_loop3A_92 : i32 to index
      %parallel_loop3A_224 = tpu.vector_load %arg12[%parallel_loop3A_222, %parallel_loop3A_223] {strides = array<i32>} : memref<8x4096xf32, #tpu.memory_space<vmem>>, vector<16xf32>,
      tpu.vector_store %arg12[%parallel_loop3A_222, %parallel_loop3A_223], %parallel_loop3A_220 {strides = array<i32>} : memref<8x4096xf32, #tpu.memory_space<vmem>>, vector<16xf32>,
    } {sc.loop_unroll_factor = 2 : i64, sc.parallel_access}
    %dma_start3A_19 = arith.constant 0 : i32
    %dma_start3A_20 = tpu.memref_slice %arg6[%add3A_7, %dma_start3A_19] : memref<1024x4096xf32, #tpu.memory_space<hbm>> -> memref<8x4096xf32, #tpu.memory_space<hbm>>
    %dma_start3A_21 = arith.constant 0 : i32
    %dma_start3A_22 = tpu.memref_slice %arg6[%add3A_7, %dma_start3A_21] : memref<1024x4096xf32, #tpu.memory_space<hbm>> -> memref<8x4096xf32, #tpu.memory_space<hbm>>
    tpu.enqueue_dma source(%arg12 : memref<8x4096xf32, #tpu.memory_space<vmem>>) target(%dma_start3A_22 : memref<8x4096xf32, #tpu.memory_space<hbm>>) target_semaphore(%arg19 : memref<!tpu.dma_semaphore, #tpu.memory_space<semaphore_mem>>)
    %add3A_23 = arith.constant 8 : i32
    %add3A_24 = arith.addi %mul3A_2, %add3A_23 : i32
    %dma_wait3A_25 = arith.constant 0 : i32
    %dma_wait3A_26 = tpu.memref_slice %arg2[%add3A_12, %dma_wait3A_25] : memref<1024x1024xf32, #tpu.memory_space<hbm>> -> memref<8x1024xf32, #tpu.memory_space<hbm>>
    %dma_wait3A_27 = arith.constant 0 : i32
    %dma_wait3A_28 = tpu.memref_slice %arg2[%add3A_12, %dma_wait3A_27] : memref<1024x1024xf32, #tpu.memory_space<hbm>> -> memref<8x1024xf32, #tpu.memory_space<hbm>>
    tpu.wait_dma2 semaphore(%arg18 : memref<!tpu.dma_semaphore, #tpu.memory_space<semaphore_mem>>) src(%dma_wait3A_28 : memref<8x1024xf32, #tpu.memory_space<hbm>>) dst(%arg11 : memref<8x1024xf32, #tpu.memory_space<vmem>>)
    %add3A_29 = arith.constant 8 : i32
    %add3A_30 = arith.addi %add3A_24, %add3A_29 : i32
    %dma_start3A_31 = arith.constant 0 : i32
    %dma_start3A_32 = tpu.memref_slice %arg2[%add3A_30, %dma_start3A_31] : memref<1024x1024xf32, #tpu.memory_space<hbm>> -> memref<8x1024xf32, #tpu.memory_space<hbm>>
    %dma_start3A_33 = arith.constant 0 : i32
    %dma_start3A_34 = tpu.memref_slice %arg2[%add3A_30, %dma_start3A_33] : memref<1024x1024xf32, #tpu.memory_space<hbm>> -> memref<8x1024xf32, #tpu.memory_space<hbm>>
    tpu.enqueue_dma source(%dma_start3A_34 : memref<8x1024xf32, #tpu.memory_space<hbm>>) target(%arg10 : memref<8x1024xf32, #tpu.memory_space<vmem>>) target_semaphore(%arg17 : memref<!tpu.dma_semaphore, #tpu.memory_space<semaphore_mem>>)
    %parallel_loop3A_35 = arith.constant 0 : i32
    %parallel_loop3A_36 = arith.constant 256 : i32
    %parallel_loop3A_37 = arith.constant 1 : i32
    scf.for %parallel_loop3A_90 = %parallel_loop3A_35 to %parallel_loop3A_36 step %parallel_loop3A_37  : i32 {
      %parallel_loop3A_91 = arith.constant 16 : i32
      %parallel_loop3A_92 = arith.muli %parallel_loop3A_90, %parallel_loop3A_91 : i32
      %parallel_loop3A_93 = arith.index_cast %parallel_loop3A_92 : i32 to index
      %parallel_loop3A_94 = tpu.vector_load %arg7[%parallel_loop3A_93] {strides = array<i32>} : memref<4096xi32, #tpu.memory_space<vmem>>, vector<16xi32>,
      %parallel_loop3A_95 = arith.index_cast %parallel_loop3A_92 : i32 to index
      %parallel_loop3A_96 = tpu.vector_load %arg8[%parallel_loop3A_95] {strides = array<i32>} : memref<4096xi32, #tpu.memory_space<vmem>>, vector<16xi32>,
      %parallel_loop3A_97 = arith.constant 0 : i32
      %parallel_loop3A_98 = arith.index_cast %parallel_loop3A_97 : i32 to index
      %parallel_loop3A_99 = arith.index_cast %parallel_loop3A_92 : i32 to index
      %parallel_loop3A_100 = tpu.vector_load %arg9[%parallel_loop3A_98, %parallel_loop3A_99] {strides = array<i32>} : memref<8x4096xf32, #tpu.memory_space<vmem>>, vector<16xf32>,
      %parallel_loop3A_101 = arith.constant 1 : i32
      %parallel_loop3A_102 = arith.index_cast %parallel_loop3A_101 : i32 to index
      %parallel_loop3A_103 = arith.index_cast %parallel_loop3A_92 : i32 to index
      %parallel_loop3A_104 = tpu.vector_load %arg9[%parallel_loop3A_102, %parallel_loop3A_103] {strides = array<i32>} : memref<8x4096xf32, #tpu.memory_space<vmem>>, vector<16xf32>,
      %parallel_loop3A_105 = arith.constant 2 : i32
      %parallel_loop3A_106 = arith.index_cast %parallel_loop3A_105 : i32 to index
      %parallel_loop3A_107 = arith.index_cast %parallel_loop3A_92 : i32 to index
      %parallel_loop3A_108 = tpu.vector_load %arg9[%parallel_loop3A_106, %parallel_loop3A_107] {strides = array<i32>} : memref<8x4096xf32, #tpu.memory_space<vmem>>, vector<16xf32>,
      %parallel_loop3A_109 = arith.constant 3 : i32
      %parallel_loop3A_110 = arith.index_cast %parallel_loop3A_109 : i32 to index
      %parallel_loop3A_111 = arith.index_cast %parallel_loop3A_92 : i32 to index
      %parallel_loop3A_112 = tpu.vector_load %arg9[%parallel_loop3A_110, %parallel_loop3A_111] {strides = array<i32>} : memref<8x4096xf32, #tpu.memory_space<vmem>>, vector<16xf32>,
      %parallel_loop3A_113 = arith.constant 0 : i32
      %parallel_loop3A_114 = vector.broadcast %parallel_loop3A_113 : i32 to vector<16xi32>
      %parallel_loop3A_115 = tpu.vector_load_idx %arg11[%parallel_loop3A_114, %parallel_loop3A_94] : memref<8x1024xf32, #tpu.memory_space<vmem>>[vector<16xi32>, vector<16xi32>], vector<16xf32>,
      %parallel_loop3A_116 = tpu.vector_load_idx %arg11[%parallel_loop3A_114, %parallel_loop3A_96] : memref<8x1024xf32, #tpu.memory_space<vmem>>[vector<16xi32>, vector<16xi32>], vector<16xf32>,
      %parallel_loop3A_117 = arith.constant 1 : i32
      %parallel_loop3A_118 = vector.broadcast %parallel_loop3A_117 : i32 to vector<16xi32>
      %parallel_loop3A_119 = tpu.vector_load_idx %arg11[%parallel_loop3A_118, %parallel_loop3A_94] : memref<8x1024xf32, #tpu.memory_space<vmem>>[vector<16xi32>, vector<16xi32>], vector<16xf32>,
      %parallel_loop3A_120 = tpu.vector_load_idx %arg11[%parallel_loop3A_118, %parallel_loop3A_96] : memref<8x1024xf32, #tpu.memory_space<vmem>>[vector<16xi32>, vector<16xi32>], vector<16xf32>,
      %parallel_loop3A_121 = arith.constant 2 : i32
      %parallel_loop3A_122 = vector.broadcast %parallel_loop3A_121 : i32 to vector<16xi32>
      %parallel_loop3A_123 = tpu.vector_load_idx %arg11[%parallel_loop3A_122, %parallel_loop3A_94] : memref<8x1024xf32, #tpu.memory_space<vmem>>[vector<16xi32>, vector<16xi32>], vector<16xf32>,
      %parallel_loop3A_124 = tpu.vector_load_idx %arg11[%parallel_loop3A_122, %parallel_loop3A_96] : memref<8x1024xf32, #tpu.memory_space<vmem>>[vector<16xi32>, vector<16xi32>], vector<16xf32>,
      %parallel_loop3A_125 = arith.constant 3 : i32
      %parallel_loop3A_126 = vector.broadcast %parallel_loop3A_125 : i32 to vector<16xi32>
      %parallel_loop3A_127 = tpu.vector_load_idx %arg11[%parallel_loop3A_126, %parallel_loop3A_94] : memref<8x1024xf32, #tpu.memory_space<vmem>>[vector<16xi32>, vector<16xi32>], vector<16xf32>,
      %parallel_loop3A_128 = tpu.vector_load_idx %arg11[%parallel_loop3A_126, %parallel_loop3A_96] : memref<8x1024xf32, #tpu.memory_space<vmem>>[vector<16xi32>, vector<16xi32>], vector<16xf32>,
      %parallel_loop3A_129 = arith.constant 4 : i32
      %parallel_loop3A_130 = vector.broadcast %parallel_loop3A_129 : i32 to vector<16xi32>
      %parallel_loop3A_131 = tpu.vector_load_idx %arg11[%parallel_loop3A_130, %parallel_loop3A_94] : memref<8x1024xf32, #tpu.memory_space<vmem>>[vector<16xi32>, vector<16xi32>], vector<16xf32>,
      %parallel_loop3A_132 = tpu.vector_load_idx %arg11[%parallel_loop3A_130, %parallel_loop3A_96] : memref<8x1024xf32, #tpu.memory_space<vmem>>[vector<16xi32>, vector<16xi32>], vector<16xf32>,
      %parallel_loop3A_133 = arith.constant 5 : i32
      %parallel_loop3A_134 = vector.broadcast %parallel_loop3A_133 : i32 to vector<16xi32>
      %parallel_loop3A_135 = tpu.vector_load_idx %arg11[%parallel_loop3A_134, %parallel_loop3A_94] : memref<8x1024xf32, #tpu.memory_space<vmem>>[vector<16xi32>, vector<16xi32>], vector<16xf32>,
      %parallel_loop3A_136 = tpu.vector_load_idx %arg11[%parallel_loop3A_134, %parallel_loop3A_96] : memref<8x1024xf32, #tpu.memory_space<vmem>>[vector<16xi32>, vector<16xi32>], vector<16xf32>,
      %parallel_loop3A_137 = arith.constant 6 : i32
      %parallel_loop3A_138 = vector.broadcast %parallel_loop3A_137 : i32 to vector<16xi32>
      %parallel_loop3A_139 = tpu.vector_load_idx %arg11[%parallel_loop3A_138, %parallel_loop3A_94] : memref<8x1024xf32, #tpu.memory_space<vmem>>[vector<16xi32>, vector<16xi32>], vector<16xf32>,
      %parallel_loop3A_140 = tpu.vector_load_idx %arg11[%parallel_loop3A_138, %parallel_loop3A_96] : memref<8x1024xf32, #tpu.memory_space<vmem>>[vector<16xi32>, vector<16xi32>], vector<16xf32>,
      %parallel_loop3A_141 = arith.constant 7 : i32
      %parallel_loop3A_142 = vector.broadcast %parallel_loop3A_141 : i32 to vector<16xi32>
      %parallel_loop3A_143 = tpu.vector_load_idx %arg11[%parallel_loop3A_142, %parallel_loop3A_94] : memref<8x1024xf32, #tpu.memory_space<vmem>>[vector<16xi32>, vector<16xi32>], vector<16xf32>,
      %parallel_loop3A_144 = tpu.vector_load_idx %arg11[%parallel_loop3A_142, %parallel_loop3A_96] : memref<8x1024xf32, #tpu.memory_space<vmem>>[vector<16xi32>, vector<16xi32>], vector<16xf32>,
      %parallel_loop3A_145 = arith.mulf %parallel_loop3A_115, %parallel_loop3A_104 : vector<16xf32>
      %parallel_loop3A_146 = arith.addf %parallel_loop3A_100, %parallel_loop3A_145 : vector<16xf32>
      %parallel_loop3A_147 = arith.mulf %parallel_loop3A_115, %parallel_loop3A_112 : vector<16xf32>
      %parallel_loop3A_148 = arith.addf %parallel_loop3A_108, %parallel_loop3A_147 : vector<16xf32>
      %parallel_loop3A_149 = arith.mulf %parallel_loop3A_116, %parallel_loop3A_148 : vector<16xf32>
      %parallel_loop3A_150 = arith.addf %parallel_loop3A_146, %parallel_loop3A_149 : vector<16xf32>
      %parallel_loop3A_151 = arith.constant 0 : i32
      %parallel_loop3A_152 = arith.index_cast %parallel_loop3A_151 : i32 to index
      %parallel_loop3A_153 = arith.index_cast %parallel_loop3A_92 : i32 to index
      %parallel_loop3A_154 = tpu.vector_load %arg13[%parallel_loop3A_152, %parallel_loop3A_153] {strides = array<i32>} : memref<8x4096xf32, #tpu.memory_space<vmem>>, vector<16xf32>,
      tpu.vector_store %arg13[%parallel_loop3A_152, %parallel_loop3A_153], %parallel_loop3A_150 {strides = array<i32>} : memref<8x4096xf32, #tpu.memory_space<vmem>>, vector<16xf32>,
      %parallel_loop3A_155 = arith.mulf %parallel_loop3A_119, %parallel_loop3A_104 : vector<16xf32>
      %parallel_loop3A_156 = arith.addf %parallel_loop3A_100, %parallel_loop3A_155 : vector<16xf32>
      %parallel_loop3A_157 = arith.mulf %parallel_loop3A_119, %parallel_loop3A_112 : vector<16xf32>
      %parallel_loop3A_158 = arith.addf %parallel_loop3A_108, %parallel_loop3A_157 : vector<16xf32>
      %parallel_loop3A_159 = arith.mulf %parallel_loop3A_120, %parallel_loop3A_158 : vector<16xf32>
      %parallel_loop3A_160 = arith.addf %parallel_loop3A_156, %parallel_loop3A_159 : vector<16xf32>
      %parallel_loop3A_161 = arith.constant 1 : i32
      %parallel_loop3A_162 = arith.index_cast %parallel_loop3A_161 : i32 to index
      %parallel_loop3A_163 = arith.index_cast %parallel_loop3A_92 : i32 to index
      %parallel_loop3A_164 = tpu.vector_load %arg13[%parallel_loop3A_162, %parallel_loop3A_163] {strides = array<i32>} : memref<8x4096xf32, #tpu.memory_space<vmem>>, vector<16xf32>,
      tpu.vector_store %arg13[%parallel_loop3A_162, %parallel_loop3A_163], %parallel_loop3A_160 {strides = array<i32>} : memref<8x4096xf32, #tpu.memory_space<vmem>>, vector<16xf32>,
      %parallel_loop3A_165 = arith.mulf %parallel_loop3A_123, %parallel_loop3A_104 : vector<16xf32>
      %parallel_loop3A_166 = arith.addf %parallel_loop3A_100, %parallel_loop3A_165 : vector<16xf32>
      %parallel_loop3A_167 = arith.mulf %parallel_loop3A_123, %parallel_loop3A_112 : vector<16xf32>
      %parallel_loop3A_168 = arith.addf %parallel_loop3A_108, %parallel_loop3A_167 : vector<16xf32>
      %parallel_loop3A_169 = arith.mulf %parallel_loop3A_124, %parallel_loop3A_168 : vector<16xf32>
      %parallel_loop3A_170 = arith.addf %parallel_loop3A_166, %parallel_loop3A_169 : vector<16xf32>
      %parallel_loop3A_171 = arith.constant 2 : i32
      %parallel_loop3A_172 = arith.index_cast %parallel_loop3A_171 : i32 to index
      %parallel_loop3A_173 = arith.index_cast %parallel_loop3A_92 : i32 to index
      %parallel_loop3A_174 = tpu.vector_load %arg13[%parallel_loop3A_172, %parallel_loop3A_173] {strides = array<i32>} : memref<8x4096xf32, #tpu.memory_space<vmem>>, vector<16xf32>,
      tpu.vector_store %arg13[%parallel_loop3A_172, %parallel_loop3A_173], %parallel_loop3A_170 {strides = array<i32>} : memref<8x4096xf32, #tpu.memory_space<vmem>>, vector<16xf32>,
      %parallel_loop3A_175 = arith.mulf %parallel_loop3A_127, %parallel_loop3A_104 : vector<16xf32>
      %parallel_loop3A_176 = arith.addf %parallel_loop3A_100, %parallel_loop3A_175 : vector<16xf32>
      %parallel_loop3A_177 = arith.mulf %parallel_loop3A_127, %parallel_loop3A_112 : vector<16xf32>
      %parallel_loop3A_178 = arith.addf %parallel_loop3A_108, %parallel_loop3A_177 : vector<16xf32>
      %parallel_loop3A_179 = arith.mulf %parallel_loop3A_128, %parallel_loop3A_178 : vector<16xf32>
      %parallel_loop3A_180 = arith.addf %parallel_loop3A_176, %parallel_loop3A_179 : vector<16xf32>
      %parallel_loop3A_181 = arith.constant 3 : i32
      %parallel_loop3A_182 = arith.index_cast %parallel_loop3A_181 : i32 to index
      %parallel_loop3A_183 = arith.index_cast %parallel_loop3A_92 : i32 to index
      %parallel_loop3A_184 = tpu.vector_load %arg13[%parallel_loop3A_182, %parallel_loop3A_183] {strides = array<i32>} : memref<8x4096xf32, #tpu.memory_space<vmem>>, vector<16xf32>,
      tpu.vector_store %arg13[%parallel_loop3A_182, %parallel_loop3A_183], %parallel_loop3A_180 {strides = array<i32>} : memref<8x4096xf32, #tpu.memory_space<vmem>>, vector<16xf32>,
      %parallel_loop3A_185 = arith.mulf %parallel_loop3A_131, %parallel_loop3A_104 : vector<16xf32>
      %parallel_loop3A_186 = arith.addf %parallel_loop3A_100, %parallel_loop3A_185 : vector<16xf32>
      %parallel_loop3A_187 = arith.mulf %parallel_loop3A_131, %parallel_loop3A_112 : vector<16xf32>
      %parallel_loop3A_188 = arith.addf %parallel_loop3A_108, %parallel_loop3A_187 : vector<16xf32>
      %parallel_loop3A_189 = arith.mulf %parallel_loop3A_132, %parallel_loop3A_188 : vector<16xf32>
      %parallel_loop3A_190 = arith.addf %parallel_loop3A_186, %parallel_loop3A_189 : vector<16xf32>
      %parallel_loop3A_191 = arith.constant 4 : i32
      %parallel_loop3A_192 = arith.index_cast %parallel_loop3A_191 : i32 to index
      %parallel_loop3A_193 = arith.index_cast %parallel_loop3A_92 : i32 to index
      %parallel_loop3A_194 = tpu.vector_load %arg13[%parallel_loop3A_192, %parallel_loop3A_193] {strides = array<i32>} : memref<8x4096xf32, #tpu.memory_space<vmem>>, vector<16xf32>,
      tpu.vector_store %arg13[%parallel_loop3A_192, %parallel_loop3A_193], %parallel_loop3A_190 {strides = array<i32>} : memref<8x4096xf32, #tpu.memory_space<vmem>>, vector<16xf32>,
      %parallel_loop3A_195 = arith.mulf %parallel_loop3A_135, %parallel_loop3A_104 : vector<16xf32>
      %parallel_loop3A_196 = arith.addf %parallel_loop3A_100, %parallel_loop3A_195 : vector<16xf32>
      %parallel_loop3A_197 = arith.mulf %parallel_loop3A_135, %parallel_loop3A_112 : vector<16xf32>
      %parallel_loop3A_198 = arith.addf %parallel_loop3A_108, %parallel_loop3A_197 : vector<16xf32>
      %parallel_loop3A_199 = arith.mulf %parallel_loop3A_136, %parallel_loop3A_198 : vector<16xf32>
      %parallel_loop3A_200 = arith.addf %parallel_loop3A_196, %parallel_loop3A_199 : vector<16xf32>
      %parallel_loop3A_201 = arith.constant 5 : i32
      %parallel_loop3A_202 = arith.index_cast %parallel_loop3A_201 : i32 to index
      %parallel_loop3A_203 = arith.index_cast %parallel_loop3A_92 : i32 to index
      %parallel_loop3A_204 = tpu.vector_load %arg13[%parallel_loop3A_202, %parallel_loop3A_203] {strides = array<i32>} : memref<8x4096xf32, #tpu.memory_space<vmem>>, vector<16xf32>,
      tpu.vector_store %arg13[%parallel_loop3A_202, %parallel_loop3A_203], %parallel_loop3A_200 {strides = array<i32>} : memref<8x4096xf32, #tpu.memory_space<vmem>>, vector<16xf32>,
      %parallel_loop3A_205 = arith.mulf %parallel_loop3A_139, %parallel_loop3A_104 : vector<16xf32>
      %parallel_loop3A_206 = arith.addf %parallel_loop3A_100, %parallel_loop3A_205 : vector<16xf32>
      %parallel_loop3A_207 = arith.mulf %parallel_loop3A_139, %parallel_loop3A_112 : vector<16xf32>
      %parallel_loop3A_208 = arith.addf %parallel_loop3A_108, %parallel_loop3A_207 : vector<16xf32>
      %parallel_loop3A_209 = arith.mulf %parallel_loop3A_140, %parallel_loop3A_208 : vector<16xf32>
      %parallel_loop3A_210 = arith.addf %parallel_loop3A_206, %parallel_loop3A_209 : vector<16xf32>
      %parallel_loop3A_211 = arith.constant 6 : i32
      %parallel_loop3A_212 = arith.index_cast %parallel_loop3A_211 : i32 to index
      %parallel_loop3A_213 = arith.index_cast %parallel_loop3A_92 : i32 to index
      %parallel_loop3A_214 = tpu.vector_load %arg13[%parallel_loop3A_212, %parallel_loop3A_213] {strides = array<i32>} : memref<8x4096xf32, #tpu.memory_space<vmem>>, vector<16xf32>,
      tpu.vector_store %arg13[%parallel_loop3A_212, %parallel_loop3A_213], %parallel_loop3A_210 {strides = array<i32>} : memref<8x4096xf32, #tpu.memory_space<vmem>>, vector<16xf32>,
      %parallel_loop3A_215 = arith.mulf %parallel_loop3A_143, %parallel_loop3A_104 : vector<16xf32>
      %parallel_loop3A_216 = arith.addf %parallel_loop3A_100, %parallel_loop3A_215 : vector<16xf32>
      %parallel_loop3A_217 = arith.mulf %parallel_loop3A_143, %parallel_loop3A_112 : vector<16xf32>
      %parallel_loop3A_218 = arith.addf %parallel_loop3A_108, %parallel_loop3A_217 : vector<16xf32>
      %parallel_loop3A_219 = arith.mulf %parallel_loop3A_144, %parallel_loop3A_218 : vector<16xf32>
      %parallel_loop3A_220 = arith.addf %parallel_loop3A_216, %parallel_loop3A_219 : vector<16xf32>
      %parallel_loop3A_221 = arith.constant 7 : i32
      %parallel_loop3A_222 = arith.index_cast %parallel_loop3A_221 : i32 to index
      %parallel_loop3A_223 = arith.index_cast %parallel_loop3A_92 : i32 to index
      %parallel_loop3A_224 = tpu.vector_load %arg13[%parallel_loop3A_222, %parallel_loop3A_223] {strides = array<i32>} : memref<8x4096xf32, #tpu.memory_space<vmem>>, vector<16xf32>,
      tpu.vector_store %arg13[%parallel_loop3A_222, %parallel_loop3A_223], %parallel_loop3A_220 {strides = array<i32>} : memref<8x4096xf32, #tpu.memory_space<vmem>>, vector<16xf32>,
    } {sc.loop_unroll_factor = 2 : i64, sc.parallel_access}
    %dma_start3A_38 = arith.constant 0 : i32
    %dma_start3A_39 = tpu.memref_slice %arg6[%add3A_24, %dma_start3A_38] : memref<1024x4096xf32, #tpu.memory_space<hbm>> -> memref<8x4096xf32, #tpu.memory_space<hbm>>
    %dma_start3A_40 = arith.constant 0 : i32
    %dma_start3A_41 = tpu.memref_slice %arg6[%add3A_24, %dma_start3A_40] : memref<1024x4096xf32, #tpu.memory_space<hbm>> -> memref<8x4096xf32, #tpu.memory_space<hbm>>
    tpu.enqueue_dma source(%arg13 : memref<8x4096xf32, #tpu.memory_space<vmem>>) target(%dma_start3A_41 : memref<8x4096xf32, #tpu.memory_space<hbm>>) target_semaphore(%arg20 : memref<!tpu.dma_semaphore, #tpu.memory_space<semaphore_mem>>)
    %add3A_42 = arith.constant 16 : i32
    %add3A_43 = arith.addi %mul3A_2, %add3A_42 : i32
    %dma_wait3A_44 = arith.constant 0 : i32
    %dma_wait3A_45 = tpu.memref_slice %arg2[%add3A_30, %dma_wait3A_44] : memref<1024x1024xf32, #tpu.memory_space<hbm>> -> memref<8x1024xf32, #tpu.memory_space<hbm>>
    %dma_wait3A_46 = arith.constant 0 : i32
    %dma_wait3A_47 = tpu.memref_slice %arg2[%add3A_30, %dma_wait3A_46] : memref<1024x1024xf32, #tpu.memory_space<hbm>> -> memref<8x1024xf32, #tpu.memory_space<hbm>>
    tpu.wait_dma2 semaphore(%arg17 : memref<!tpu.dma_semaphore, #tpu.memory_space<semaphore_mem>>) src(%dma_wait3A_47 : memref<8x1024xf32, #tpu.memory_space<hbm>>) dst(%arg10 : memref<8x1024xf32, #tpu.memory_space<vmem>>)
    %add3A_48 = arith.constant 8 : i32
    %add3A_49 = arith.addi %add3A_43, %add3A_48 : i32
    %dma_start3A_50 = arith.constant 0 : i32
    %dma_start3A_51 = tpu.memref_slice %arg2[%add3A_49, %dma_start3A_50] : memref<1024x1024xf32, #tpu.memory_space<hbm>> -> memref<8x1024xf32, #tpu.memory_space<hbm>>
    %dma_start3A_52 = arith.constant 0 : i32
    %dma_start3A_53 = tpu.memref_slice %arg2[%add3A_49, %dma_start3A_52] : memref<1024x1024xf32, #tpu.memory_space<hbm>> -> memref<8x1024xf32, #tpu.memory_space<hbm>>
    tpu.enqueue_dma source(%dma_start3A_53 : memref<8x1024xf32, #tpu.memory_space<hbm>>) target(%arg11 : memref<8x1024xf32, #tpu.memory_space<vmem>>) target_semaphore(%arg18 : memref<!tpu.dma_semaphore, #tpu.memory_space<semaphore_mem>>)
    %dma_wait3A_54 = arith.constant 0 : i32
    %dma_wait3A_55 = tpu.memref_slice %arg6[%add3A_7, %dma_wait3A_54] : memref<1024x4096xf32, #tpu.memory_space<hbm>> -> memref<8x4096xf32, #tpu.memory_space<hbm>>
    %dma_wait3A_56 = arith.constant 0 : i32
    %dma_wait3A_57 = tpu.memref_slice %arg6[%add3A_7, %dma_wait3A_56] : memref<1024x4096xf32, #tpu.memory_space<hbm>> -> memref<8x4096xf32, #tpu.memory_space<hbm>>
    tpu.wait_dma2 semaphore(%arg19 : memref<!tpu.dma_semaphore, #tpu.memory_space<semaphore_mem>>) src(%arg12 : memref<8x4096xf32, #tpu.memory_space<vmem>>) dst(%dma_wait3A_57 : memref<8x4096xf32, #tpu.memory_space<hbm>>)
    %parallel_loop3A_58 = arith.constant 0 : i32
    %parallel_loop3A_59 = arith.constant 256 : i32
    %parallel_loop3A_60 = arith.constant 1 : i32
    scf.for %parallel_loop3A_90 = %parallel_loop3A_58 to %parallel_loop3A_59 step %parallel_loop3A_60  : i32 {
      %parallel_loop3A_91 = arith.constant 16 : i32
      %parallel_loop3A_92 = arith.muli %parallel_loop3A_90, %parallel_loop3A_91 : i32
      %parallel_loop3A_93 = arith.index_cast %parallel_loop3A_92 : i32 to index
      %parallel_loop3A_94 = tpu.vector_load %arg7[%parallel_loop3A_93] {strides = array<i32>} : memref<4096xi32, #tpu.memory_space<vmem>>, vector<16xi32>,
      %parallel_loop3A_95 = arith.index_cast %parallel_loop3A_92 : i32 to index
      %parallel_loop3A_96 = tpu.vector_load %arg8[%parallel_loop3A_95] {strides = array<i32>} : memref<4096xi32, #tpu.memory_space<vmem>>, vector<16xi32>,
      %parallel_loop3A_97 = arith.constant 0 : i32
      %parallel_loop3A_98 = arith.index_cast %parallel_loop3A_97 : i32 to index
      %parallel_loop3A_99 = arith.index_cast %parallel_loop3A_92 : i32 to index
      %parallel_loop3A_100 = tpu.vector_load %arg9[%parallel_loop3A_98, %parallel_loop3A_99] {strides = array<i32>} : memref<8x4096xf32, #tpu.memory_space<vmem>>, vector<16xf32>,
      %parallel_loop3A_101 = arith.constant 1 : i32
      %parallel_loop3A_102 = arith.index_cast %parallel_loop3A_101 : i32 to index
      %parallel_loop3A_103 = arith.index_cast %parallel_loop3A_92 : i32 to index
      %parallel_loop3A_104 = tpu.vector_load %arg9[%parallel_loop3A_102, %parallel_loop3A_103] {strides = array<i32>} : memref<8x4096xf32, #tpu.memory_space<vmem>>, vector<16xf32>,
      %parallel_loop3A_105 = arith.constant 2 : i32
      %parallel_loop3A_106 = arith.index_cast %parallel_loop3A_105 : i32 to index
      %parallel_loop3A_107 = arith.index_cast %parallel_loop3A_92 : i32 to index
      %parallel_loop3A_108 = tpu.vector_load %arg9[%parallel_loop3A_106, %parallel_loop3A_107] {strides = array<i32>} : memref<8x4096xf32, #tpu.memory_space<vmem>>, vector<16xf32>,
      %parallel_loop3A_109 = arith.constant 3 : i32
      %parallel_loop3A_110 = arith.index_cast %parallel_loop3A_109 : i32 to index
      %parallel_loop3A_111 = arith.index_cast %parallel_loop3A_92 : i32 to index
      %parallel_loop3A_112 = tpu.vector_load %arg9[%parallel_loop3A_110, %parallel_loop3A_111] {strides = array<i32>} : memref<8x4096xf32, #tpu.memory_space<vmem>>, vector<16xf32>,
      %parallel_loop3A_113 = arith.constant 0 : i32
      %parallel_loop3A_114 = vector.broadcast %parallel_loop3A_113 : i32 to vector<16xi32>
      %parallel_loop3A_115 = tpu.vector_load_idx %arg10[%parallel_loop3A_114, %parallel_loop3A_94] : memref<8x1024xf32, #tpu.memory_space<vmem>>[vector<16xi32>, vector<16xi32>], vector<16xf32>,
      %parallel_loop3A_116 = tpu.vector_load_idx %arg10[%parallel_loop3A_114, %parallel_loop3A_96] : memref<8x1024xf32, #tpu.memory_space<vmem>>[vector<16xi32>, vector<16xi32>], vector<16xf32>,
      %parallel_loop3A_117 = arith.constant 1 : i32
      %parallel_loop3A_118 = vector.broadcast %parallel_loop3A_117 : i32 to vector<16xi32>
      %parallel_loop3A_119 = tpu.vector_load_idx %arg10[%parallel_loop3A_118, %parallel_loop3A_94] : memref<8x1024xf32, #tpu.memory_space<vmem>>[vector<16xi32>, vector<16xi32>], vector<16xf32>,
      %parallel_loop3A_120 = tpu.vector_load_idx %arg10[%parallel_loop3A_118, %parallel_loop3A_96] : memref<8x1024xf32, #tpu.memory_space<vmem>>[vector<16xi32>, vector<16xi32>], vector<16xf32>,
      %parallel_loop3A_121 = arith.constant 2 : i32
      %parallel_loop3A_122 = vector.broadcast %parallel_loop3A_121 : i32 to vector<16xi32>
      %parallel_loop3A_123 = tpu.vector_load_idx %arg10[%parallel_loop3A_122, %parallel_loop3A_94] : memref<8x1024xf32, #tpu.memory_space<vmem>>[vector<16xi32>, vector<16xi32>], vector<16xf32>,
      %parallel_loop3A_124 = tpu.vector_load_idx %arg10[%parallel_loop3A_122, %parallel_loop3A_96] : memref<8x1024xf32, #tpu.memory_space<vmem>>[vector<16xi32>, vector<16xi32>], vector<16xf32>,
      %parallel_loop3A_125 = arith.constant 3 : i32
      %parallel_loop3A_126 = vector.broadcast %parallel_loop3A_125 : i32 to vector<16xi32>
      %parallel_loop3A_127 = tpu.vector_load_idx %arg10[%parallel_loop3A_126, %parallel_loop3A_94] : memref<8x1024xf32, #tpu.memory_space<vmem>>[vector<16xi32>, vector<16xi32>], vector<16xf32>,
      %parallel_loop3A_128 = tpu.vector_load_idx %arg10[%parallel_loop3A_126, %parallel_loop3A_96] : memref<8x1024xf32, #tpu.memory_space<vmem>>[vector<16xi32>, vector<16xi32>], vector<16xf32>,
      %parallel_loop3A_129 = arith.constant 4 : i32
      %parallel_loop3A_130 = vector.broadcast %parallel_loop3A_129 : i32 to vector<16xi32>
      %parallel_loop3A_131 = tpu.vector_load_idx %arg10[%parallel_loop3A_130, %parallel_loop3A_94] : memref<8x1024xf32, #tpu.memory_space<vmem>>[vector<16xi32>, vector<16xi32>], vector<16xf32>,
      %parallel_loop3A_132 = tpu.vector_load_idx %arg10[%parallel_loop3A_130, %parallel_loop3A_96] : memref<8x1024xf32, #tpu.memory_space<vmem>>[vector<16xi32>, vector<16xi32>], vector<16xf32>,
      %parallel_loop3A_133 = arith.constant 5 : i32
      %parallel_loop3A_134 = vector.broadcast %parallel_loop3A_133 : i32 to vector<16xi32>
      %parallel_loop3A_135 = tpu.vector_load_idx %arg10[%parallel_loop3A_134, %parallel_loop3A_94] : memref<8x1024xf32, #tpu.memory_space<vmem>>[vector<16xi32>, vector<16xi32>], vector<16xf32>,
      %parallel_loop3A_136 = tpu.vector_load_idx %arg10[%parallel_loop3A_134, %parallel_loop3A_96] : memref<8x1024xf32, #tpu.memory_space<vmem>>[vector<16xi32>, vector<16xi32>], vector<16xf32>,
      %parallel_loop3A_137 = arith.constant 6 : i32
      %parallel_loop3A_138 = vector.broadcast %parallel_loop3A_137 : i32 to vector<16xi32>
      %parallel_loop3A_139 = tpu.vector_load_idx %arg10[%parallel_loop3A_138, %parallel_loop3A_94] : memref<8x1024xf32, #tpu.memory_space<vmem>>[vector<16xi32>, vector<16xi32>], vector<16xf32>,
      %parallel_loop3A_140 = tpu.vector_load_idx %arg10[%parallel_loop3A_138, %parallel_loop3A_96] : memref<8x1024xf32, #tpu.memory_space<vmem>>[vector<16xi32>, vector<16xi32>], vector<16xf32>,
      %parallel_loop3A_141 = arith.constant 7 : i32
      %parallel_loop3A_142 = vector.broadcast %parallel_loop3A_141 : i32 to vector<16xi32>
      %parallel_loop3A_143 = tpu.vector_load_idx %arg10[%parallel_loop3A_142, %parallel_loop3A_94] : memref<8x1024xf32, #tpu.memory_space<vmem>>[vector<16xi32>, vector<16xi32>], vector<16xf32>,
      %parallel_loop3A_144 = tpu.vector_load_idx %arg10[%parallel_loop3A_142, %parallel_loop3A_96] : memref<8x1024xf32, #tpu.memory_space<vmem>>[vector<16xi32>, vector<16xi32>], vector<16xf32>,
      %parallel_loop3A_145 = arith.mulf %parallel_loop3A_115, %parallel_loop3A_104 : vector<16xf32>
      %parallel_loop3A_146 = arith.addf %parallel_loop3A_100, %parallel_loop3A_145 : vector<16xf32>
      %parallel_loop3A_147 = arith.mulf %parallel_loop3A_115, %parallel_loop3A_112 : vector<16xf32>
      %parallel_loop3A_148 = arith.addf %parallel_loop3A_108, %parallel_loop3A_147 : vector<16xf32>
      %parallel_loop3A_149 = arith.mulf %parallel_loop3A_116, %parallel_loop3A_148 : vector<16xf32>
      %parallel_loop3A_150 = arith.addf %parallel_loop3A_146, %parallel_loop3A_149 : vector<16xf32>
      %parallel_loop3A_151 = arith.constant 0 : i32
      %parallel_loop3A_152 = arith.index_cast %parallel_loop3A_151 : i32 to index
      %parallel_loop3A_153 = arith.index_cast %parallel_loop3A_92 : i32 to index
      %parallel_loop3A_154 = tpu.vector_load %arg12[%parallel_loop3A_152, %parallel_loop3A_153] {strides = array<i32>} : memref<8x4096xf32, #tpu.memory_space<vmem>>, vector<16xf32>,
      tpu.vector_store %arg12[%parallel_loop3A_152, %parallel_loop3A_153], %parallel_loop3A_150 {strides = array<i32>} : memref<8x4096xf32, #tpu.memory_space<vmem>>, vector<16xf32>,
      %parallel_loop3A_155 = arith.mulf %parallel_loop3A_119, %parallel_loop3A_104 : vector<16xf32>
      %parallel_loop3A_156 = arith.addf %parallel_loop3A_100, %parallel_loop3A_155 : vector<16xf32>
      %parallel_loop3A_157 = arith.mulf %parallel_loop3A_119, %parallel_loop3A_112 : vector<16xf32>
      %parallel_loop3A_158 = arith.addf %parallel_loop3A_108, %parallel_loop3A_157 : vector<16xf32>
      %parallel_loop3A_159 = arith.mulf %parallel_loop3A_120, %parallel_loop3A_158 : vector<16xf32>
      %parallel_loop3A_160 = arith.addf %parallel_loop3A_156, %parallel_loop3A_159 : vector<16xf32>
      %parallel_loop3A_161 = arith.constant 1 : i32
      %parallel_loop3A_162 = arith.index_cast %parallel_loop3A_161 : i32 to index
      %parallel_loop3A_163 = arith.index_cast %parallel_loop3A_92 : i32 to index
      %parallel_loop3A_164 = tpu.vector_load %arg12[%parallel_loop3A_162, %parallel_loop3A_163] {strides = array<i32>} : memref<8x4096xf32, #tpu.memory_space<vmem>>, vector<16xf32>,
      tpu.vector_store %arg12[%parallel_loop3A_162, %parallel_loop3A_163], %parallel_loop3A_160 {strides = array<i32>} : memref<8x4096xf32, #tpu.memory_space<vmem>>, vector<16xf32>,
      %parallel_loop3A_165 = arith.mulf %parallel_loop3A_123, %parallel_loop3A_104 : vector<16xf32>
      %parallel_loop3A_166 = arith.addf %parallel_loop3A_100, %parallel_loop3A_165 : vector<16xf32>
      %parallel_loop3A_167 = arith.mulf %parallel_loop3A_123, %parallel_loop3A_112 : vector<16xf32>
      %parallel_loop3A_168 = arith.addf %parallel_loop3A_108, %parallel_loop3A_167 : vector<16xf32>
      %parallel_loop3A_169 = arith.mulf %parallel_loop3A_124, %parallel_loop3A_168 : vector<16xf32>
      %parallel_loop3A_170 = arith.addf %parallel_loop3A_166, %parallel_loop3A_169 : vector<16xf32>
      %parallel_loop3A_171 = arith.constant 2 : i32
      %parallel_loop3A_172 = arith.index_cast %parallel_loop3A_171 : i32 to index
      %parallel_loop3A_173 = arith.index_cast %parallel_loop3A_92 : i32 to index
      %parallel_loop3A_174 = tpu.vector_load %arg12[%parallel_loop3A_172, %parallel_loop3A_173] {strides = array<i32>} : memref<8x4096xf32, #tpu.memory_space<vmem>>, vector<16xf32>,
      tpu.vector_store %arg12[%parallel_loop3A_172, %parallel_loop3A_173], %parallel_loop3A_170 {strides = array<i32>} : memref<8x4096xf32, #tpu.memory_space<vmem>>, vector<16xf32>,
      %parallel_loop3A_175 = arith.mulf %parallel_loop3A_127, %parallel_loop3A_104 : vector<16xf32>
      %parallel_loop3A_176 = arith.addf %parallel_loop3A_100, %parallel_loop3A_175 : vector<16xf32>
      %parallel_loop3A_177 = arith.mulf %parallel_loop3A_127, %parallel_loop3A_112 : vector<16xf32>
      %parallel_loop3A_178 = arith.addf %parallel_loop3A_108, %parallel_loop3A_177 : vector<16xf32>
      %parallel_loop3A_179 = arith.mulf %parallel_loop3A_128, %parallel_loop3A_178 : vector<16xf32>
      %parallel_loop3A_180 = arith.addf %parallel_loop3A_176, %parallel_loop3A_179 : vector<16xf32>
      %parallel_loop3A_181 = arith.constant 3 : i32
      %parallel_loop3A_182 = arith.index_cast %parallel_loop3A_181 : i32 to index
      %parallel_loop3A_183 = arith.index_cast %parallel_loop3A_92 : i32 to index
      %parallel_loop3A_184 = tpu.vector_load %arg12[%parallel_loop3A_182, %parallel_loop3A_183] {strides = array<i32>} : memref<8x4096xf32, #tpu.memory_space<vmem>>, vector<16xf32>,
      tpu.vector_store %arg12[%parallel_loop3A_182, %parallel_loop3A_183], %parallel_loop3A_180 {strides = array<i32>} : memref<8x4096xf32, #tpu.memory_space<vmem>>, vector<16xf32>,
      %parallel_loop3A_185 = arith.mulf %parallel_loop3A_131, %parallel_loop3A_104 : vector<16xf32>
      %parallel_loop3A_186 = arith.addf %parallel_loop3A_100, %parallel_loop3A_185 : vector<16xf32>
      %parallel_loop3A_187 = arith.mulf %parallel_loop3A_131, %parallel_loop3A_112 : vector<16xf32>
      %parallel_loop3A_188 = arith.addf %parallel_loop3A_108, %parallel_loop3A_187 : vector<16xf32>
      %parallel_loop3A_189 = arith.mulf %parallel_loop3A_132, %parallel_loop3A_188 : vector<16xf32>
      %parallel_loop3A_190 = arith.addf %parallel_loop3A_186, %parallel_loop3A_189 : vector<16xf32>
      %parallel_loop3A_191 = arith.constant 4 : i32
      %parallel_loop3A_192 = arith.index_cast %parallel_loop3A_191 : i32 to index
      %parallel_loop3A_193 = arith.index_cast %parallel_loop3A_92 : i32 to index
      %parallel_loop3A_194 = tpu.vector_load %arg12[%parallel_loop3A_192, %parallel_loop3A_193] {strides = array<i32>} : memref<8x4096xf32, #tpu.memory_space<vmem>>, vector<16xf32>,
      tpu.vector_store %arg12[%parallel_loop3A_192, %parallel_loop3A_193], %parallel_loop3A_190 {strides = array<i32>} : memref<8x4096xf32, #tpu.memory_space<vmem>>, vector<16xf32>,
      %parallel_loop3A_195 = arith.mulf %parallel_loop3A_135, %parallel_loop3A_104 : vector<16xf32>
      %parallel_loop3A_196 = arith.addf %parallel_loop3A_100, %parallel_loop3A_195 : vector<16xf32>
      %parallel_loop3A_197 = arith.mulf %parallel_loop3A_135, %parallel_loop3A_112 : vector<16xf32>
      %parallel_loop3A_198 = arith.addf %parallel_loop3A_108, %parallel_loop3A_197 : vector<16xf32>
      %parallel_loop3A_199 = arith.mulf %parallel_loop3A_136, %parallel_loop3A_198 : vector<16xf32>
      %parallel_loop3A_200 = arith.addf %parallel_loop3A_196, %parallel_loop3A_199 : vector<16xf32>
      %parallel_loop3A_201 = arith.constant 5 : i32
      %parallel_loop3A_202 = arith.index_cast %parallel_loop3A_201 : i32 to index
      %parallel_loop3A_203 = arith.index_cast %parallel_loop3A_92 : i32 to index
      %parallel_loop3A_204 = tpu.vector_load %arg12[%parallel_loop3A_202, %parallel_loop3A_203] {strides = array<i32>} : memref<8x4096xf32, #tpu.memory_space<vmem>>, vector<16xf32>,
      tpu.vector_store %arg12[%parallel_loop3A_202, %parallel_loop3A_203], %parallel_loop3A_200 {strides = array<i32>} : memref<8x4096xf32, #tpu.memory_space<vmem>>, vector<16xf32>,
      %parallel_loop3A_205 = arith.mulf %parallel_loop3A_139, %parallel_loop3A_104 : vector<16xf32>
      %parallel_loop3A_206 = arith.addf %parallel_loop3A_100, %parallel_loop3A_205 : vector<16xf32>
      %parallel_loop3A_207 = arith.mulf %parallel_loop3A_139, %parallel_loop3A_112 : vector<16xf32>
      %parallel_loop3A_208 = arith.addf %parallel_loop3A_108, %parallel_loop3A_207 : vector<16xf32>
      %parallel_loop3A_209 = arith.mulf %parallel_loop3A_140, %parallel_loop3A_208 : vector<16xf32>
      %parallel_loop3A_210 = arith.addf %parallel_loop3A_206, %parallel_loop3A_209 : vector<16xf32>
      %parallel_loop3A_211 = arith.constant 6 : i32
      %parallel_loop3A_212 = arith.index_cast %parallel_loop3A_211 : i32 to index
      %parallel_loop3A_213 = arith.index_cast %parallel_loop3A_92 : i32 to index
      %parallel_loop3A_214 = tpu.vector_load %arg12[%parallel_loop3A_212, %parallel_loop3A_213] {strides = array<i32>} : memref<8x4096xf32, #tpu.memory_space<vmem>>, vector<16xf32>,
      tpu.vector_store %arg12[%parallel_loop3A_212, %parallel_loop3A_213], %parallel_loop3A_210 {strides = array<i32>} : memref<8x4096xf32, #tpu.memory_space<vmem>>, vector<16xf32>,
      %parallel_loop3A_215 = arith.mulf %parallel_loop3A_143, %parallel_loop3A_104 : vector<16xf32>
      %parallel_loop3A_216 = arith.addf %parallel_loop3A_100, %parallel_loop3A_215 : vector<16xf32>
      %parallel_loop3A_217 = arith.mulf %parallel_loop3A_143, %parallel_loop3A_112 : vector<16xf32>
      %parallel_loop3A_218 = arith.addf %parallel_loop3A_108, %parallel_loop3A_217 : vector<16xf32>
      %parallel_loop3A_219 = arith.mulf %parallel_loop3A_144, %parallel_loop3A_218 : vector<16xf32>
      %parallel_loop3A_220 = arith.addf %parallel_loop3A_216, %parallel_loop3A_219 : vector<16xf32>
      %parallel_loop3A_221 = arith.constant 7 : i32
      %parallel_loop3A_222 = arith.index_cast %parallel_loop3A_221 : i32 to index
      %parallel_loop3A_223 = arith.index_cast %parallel_loop3A_92 : i32 to index
      %parallel_loop3A_224 = tpu.vector_load %arg12[%parallel_loop3A_222, %parallel_loop3A_223] {strides = array<i32>} : memref<8x4096xf32, #tpu.memory_space<vmem>>, vector<16xf32>,
      tpu.vector_store %arg12[%parallel_loop3A_222, %parallel_loop3A_223], %parallel_loop3A_220 {strides = array<i32>} : memref<8x4096xf32, #tpu.memory_space<vmem>>, vector<16xf32>,
    } {sc.loop_unroll_factor = 2 : i64, sc.parallel_access}
    %dma_start3A_61 = arith.constant 0 : i32
    %dma_start3A_62 = tpu.memref_slice %arg6[%add3A_43, %dma_start3A_61] : memref<1024x4096xf32, #tpu.memory_space<hbm>> -> memref<8x4096xf32, #tpu.memory_space<hbm>>
    %dma_start3A_63 = arith.constant 0 : i32
    %dma_start3A_64 = tpu.memref_slice %arg6[%add3A_43, %dma_start3A_63] : memref<1024x4096xf32, #tpu.memory_space<hbm>> -> memref<8x4096xf32, #tpu.memory_space<hbm>>
    tpu.enqueue_dma source(%arg12 : memref<8x4096xf32, #tpu.memory_space<vmem>>) target(%dma_start3A_64 : memref<8x4096xf32, #tpu.memory_space<hbm>>) target_semaphore(%arg19 : memref<!tpu.dma_semaphore, #tpu.memory_space<semaphore_mem>>)
    %add3A_65 = arith.constant 24 : i32
    %add3A_66 = arith.addi %mul3A_2, %add3A_65 : i32
    %dma_wait3A_67 = arith.constant 0 : i32
    %dma_wait3A_68 = tpu.memref_slice %arg2[%add3A_49, %dma_wait3A_67] : memref<1024x1024xf32, #tpu.memory_space<hbm>> -> memref<8x1024xf32, #tpu.memory_space<hbm>>
    %dma_wait3A_69 = arith.constant 0 : i32
    %dma_wait3A_70 = tpu.memref_slice %arg2[%add3A_49, %dma_wait3A_69] : memref<1024x1024xf32, #tpu.memory_space<hbm>> -> memref<8x1024xf32, #tpu.memory_space<hbm>>
    tpu.wait_dma2 semaphore(%arg18 : memref<!tpu.dma_semaphore, #tpu.memory_space<semaphore_mem>>) src(%dma_wait3A_70 : memref<8x1024xf32, #tpu.memory_space<hbm>>) dst(%arg11 : memref<8x1024xf32, #tpu.memory_space<vmem>>)
    %dma_wait3A_71 = arith.constant 0 : i32
    %dma_wait3A_72 = tpu.memref_slice %arg6[%add3A_24, %dma_wait3A_71] : memref<1024x4096xf32, #tpu.memory_space<hbm>> -> memref<8x4096xf32, #tpu.memory_space<hbm>>
    %dma_wait3A_73 = arith.constant 0 : i32
    %dma_wait3A_74 = tpu.memref_slice %arg6[%add3A_24, %dma_wait3A_73] : memref<1024x4096xf32, #tpu.memory_space<hbm>> -> memref<8x4096xf32, #tpu.memory_space<hbm>>
    tpu.wait_dma2 semaphore(%arg20 : memref<!tpu.dma_semaphore, #tpu.memory_space<semaphore_mem>>) src(%arg13 : memref<8x4096xf32, #tpu.memory_space<vmem>>) dst(%dma_wait3A_74 : memref<8x4096xf32, #tpu.memory_space<hbm>>)
    %parallel_loop3A_75 = arith.constant 0 : i32
    %parallel_loop3A_76 = arith.constant 256 : i32
    %parallel_loop3A_77 = arith.constant 1 : i32
    scf.for %parallel_loop3A_90 = %parallel_loop3A_75 to %parallel_loop3A_76 step %parallel_loop3A_77  : i32 {
      %parallel_loop3A_91 = arith.constant 16 : i32
      %parallel_loop3A_92 = arith.muli %parallel_loop3A_90, %parallel_loop3A_91 : i32
      %parallel_loop3A_93 = arith.index_cast %parallel_loop3A_92 : i32 to index
      %parallel_loop3A_94 = tpu.vector_load %arg7[%parallel_loop3A_93] {strides = array<i32>} : memref<4096xi32, #tpu.memory_space<vmem>>, vector<16xi32>,
      %parallel_loop3A_95 = arith.index_cast %parallel_loop3A_92 : i32 to index
      %parallel_loop3A_96 = tpu.vector_load %arg8[%parallel_loop3A_95] {strides = array<i32>} : memref<4096xi32, #tpu.memory_space<vmem>>, vector<16xi32>,
      %parallel_loop3A_97 = arith.constant 0 : i32
      %parallel_loop3A_98 = arith.index_cast %parallel_loop3A_97 : i32 to index
      %parallel_loop3A_99 = arith.index_cast %parallel_loop3A_92 : i32 to index
      %parallel_loop3A_100 = tpu.vector_load %arg9[%parallel_loop3A_98, %parallel_loop3A_99] {strides = array<i32>} : memref<8x4096xf32, #tpu.memory_space<vmem>>, vector<16xf32>,
      %parallel_loop3A_101 = arith.constant 1 : i32
      %parallel_loop3A_102 = arith.index_cast %parallel_loop3A_101 : i32 to index
      %parallel_loop3A_103 = arith.index_cast %parallel_loop3A_92 : i32 to index
      %parallel_loop3A_104 = tpu.vector_load %arg9[%parallel_loop3A_102, %parallel_loop3A_103] {strides = array<i32>} : memref<8x4096xf32, #tpu.memory_space<vmem>>, vector<16xf32>,
      %parallel_loop3A_105 = arith.constant 2 : i32
      %parallel_loop3A_106 = arith.index_cast %parallel_loop3A_105 : i32 to index
      %parallel_loop3A_107 = arith.index_cast %parallel_loop3A_92 : i32 to index
      %parallel_loop3A_108 = tpu.vector_load %arg9[%parallel_loop3A_106, %parallel_loop3A_107] {strides = array<i32>} : memref<8x4096xf32, #tpu.memory_space<vmem>>, vector<16xf32>,
      %parallel_loop3A_109 = arith.constant 3 : i32
      %parallel_loop3A_110 = arith.index_cast %parallel_loop3A_109 : i32 to index
      %parallel_loop3A_111 = arith.index_cast %parallel_loop3A_92 : i32 to index
      %parallel_loop3A_112 = tpu.vector_load %arg9[%parallel_loop3A_110, %parallel_loop3A_111] {strides = array<i32>} : memref<8x4096xf32, #tpu.memory_space<vmem>>, vector<16xf32>,
      %parallel_loop3A_113 = arith.constant 0 : i32
      %parallel_loop3A_114 = vector.broadcast %parallel_loop3A_113 : i32 to vector<16xi32>
      %parallel_loop3A_115 = tpu.vector_load_idx %arg11[%parallel_loop3A_114, %parallel_loop3A_94] : memref<8x1024xf32, #tpu.memory_space<vmem>>[vector<16xi32>, vector<16xi32>], vector<16xf32>,
      %parallel_loop3A_116 = tpu.vector_load_idx %arg11[%parallel_loop3A_114, %parallel_loop3A_96] : memref<8x1024xf32, #tpu.memory_space<vmem>>[vector<16xi32>, vector<16xi32>], vector<16xf32>,
      %parallel_loop3A_117 = arith.constant 1 : i32
      %parallel_loop3A_118 = vector.broadcast %parallel_loop3A_117 : i32 to vector<16xi32>
      %parallel_loop3A_119 = tpu.vector_load_idx %arg11[%parallel_loop3A_118, %parallel_loop3A_94] : memref<8x1024xf32, #tpu.memory_space<vmem>>[vector<16xi32>, vector<16xi32>], vector<16xf32>,
      %parallel_loop3A_120 = tpu.vector_load_idx %arg11[%parallel_loop3A_118, %parallel_loop3A_96] : memref<8x1024xf32, #tpu.memory_space<vmem>>[vector<16xi32>, vector<16xi32>], vector<16xf32>,
      %parallel_loop3A_121 = arith.constant 2 : i32
      %parallel_loop3A_122 = vector.broadcast %parallel_loop3A_121 : i32 to vector<16xi32>
      %parallel_loop3A_123 = tpu.vector_load_idx %arg11[%parallel_loop3A_122, %parallel_loop3A_94] : memref<8x1024xf32, #tpu.memory_space<vmem>>[vector<16xi32>, vector<16xi32>], vector<16xf32>,
      %parallel_loop3A_124 = tpu.vector_load_idx %arg11[%parallel_loop3A_122, %parallel_loop3A_96] : memref<8x1024xf32, #tpu.memory_space<vmem>>[vector<16xi32>, vector<16xi32>], vector<16xf32>,
      %parallel_loop3A_125 = arith.constant 3 : i32
      %parallel_loop3A_126 = vector.broadcast %parallel_loop3A_125 : i32 to vector<16xi32>
      %parallel_loop3A_127 = tpu.vector_load_idx %arg11[%parallel_loop3A_126, %parallel_loop3A_94] : memref<8x1024xf32, #tpu.memory_space<vmem>>[vector<16xi32>, vector<16xi32>], vector<16xf32>,
      %parallel_loop3A_128 = tpu.vector_load_idx %arg11[%parallel_loop3A_126, %parallel_loop3A_96] : memref<8x1024xf32, #tpu.memory_space<vmem>>[vector<16xi32>, vector<16xi32>], vector<16xf32>,
      %parallel_loop3A_129 = arith.constant 4 : i32
      %parallel_loop3A_130 = vector.broadcast %parallel_loop3A_129 : i32 to vector<16xi32>
      %parallel_loop3A_131 = tpu.vector_load_idx %arg11[%parallel_loop3A_130, %parallel_loop3A_94] : memref<8x1024xf32, #tpu.memory_space<vmem>>[vector<16xi32>, vector<16xi32>], vector<16xf32>,
      %parallel_loop3A_132 = tpu.vector_load_idx %arg11[%parallel_loop3A_130, %parallel_loop3A_96] : memref<8x1024xf32, #tpu.memory_space<vmem>>[vector<16xi32>, vector<16xi32>], vector<16xf32>,
      %parallel_loop3A_133 = arith.constant 5 : i32
      %parallel_loop3A_134 = vector.broadcast %parallel_loop3A_133 : i32 to vector<16xi32>
      %parallel_loop3A_135 = tpu.vector_load_idx %arg11[%parallel_loop3A_134, %parallel_loop3A_94] : memref<8x1024xf32, #tpu.memory_space<vmem>>[vector<16xi32>, vector<16xi32>], vector<16xf32>,
      %parallel_loop3A_136 = tpu.vector_load_idx %arg11[%parallel_loop3A_134, %parallel_loop3A_96] : memref<8x1024xf32, #tpu.memory_space<vmem>>[vector<16xi32>, vector<16xi32>], vector<16xf32>,
      %parallel_loop3A_137 = arith.constant 6 : i32
      %parallel_loop3A_138 = vector.broadcast %parallel_loop3A_137 : i32 to vector<16xi32>
      %parallel_loop3A_139 = tpu.vector_load_idx %arg11[%parallel_loop3A_138, %parallel_loop3A_94] : memref<8x1024xf32, #tpu.memory_space<vmem>>[vector<16xi32>, vector<16xi32>], vector<16xf32>,
      %parallel_loop3A_140 = tpu.vector_load_idx %arg11[%parallel_loop3A_138, %parallel_loop3A_96] : memref<8x1024xf32, #tpu.memory_space<vmem>>[vector<16xi32>, vector<16xi32>], vector<16xf32>,
      %parallel_loop3A_141 = arith.constant 7 : i32
      %parallel_loop3A_142 = vector.broadcast %parallel_loop3A_141 : i32 to vector<16xi32>
      %parallel_loop3A_143 = tpu.vector_load_idx %arg11[%parallel_loop3A_142, %parallel_loop3A_94] : memref<8x1024xf32, #tpu.memory_space<vmem>>[vector<16xi32>, vector<16xi32>], vector<16xf32>,
      %parallel_loop3A_144 = tpu.vector_load_idx %arg11[%parallel_loop3A_142, %parallel_loop3A_96] : memref<8x1024xf32, #tpu.memory_space<vmem>>[vector<16xi32>, vector<16xi32>], vector<16xf32>,
      %parallel_loop3A_145 = arith.mulf %parallel_loop3A_115, %parallel_loop3A_104 : vector<16xf32>
      %parallel_loop3A_146 = arith.addf %parallel_loop3A_100, %parallel_loop3A_145 : vector<16xf32>
      %parallel_loop3A_147 = arith.mulf %parallel_loop3A_115, %parallel_loop3A_112 : vector<16xf32>
      %parallel_loop3A_148 = arith.addf %parallel_loop3A_108, %parallel_loop3A_147 : vector<16xf32>
      %parallel_loop3A_149 = arith.mulf %parallel_loop3A_116, %parallel_loop3A_148 : vector<16xf32>
      %parallel_loop3A_150 = arith.addf %parallel_loop3A_146, %parallel_loop3A_149 : vector<16xf32>
      %parallel_loop3A_151 = arith.constant 0 : i32
      %parallel_loop3A_152 = arith.index_cast %parallel_loop3A_151 : i32 to index
      %parallel_loop3A_153 = arith.index_cast %parallel_loop3A_92 : i32 to index
      %parallel_loop3A_154 = tpu.vector_load %arg13[%parallel_loop3A_152, %parallel_loop3A_153] {strides = array<i32>} : memref<8x4096xf32, #tpu.memory_space<vmem>>, vector<16xf32>,
      tpu.vector_store %arg13[%parallel_loop3A_152, %parallel_loop3A_153], %parallel_loop3A_150 {strides = array<i32>} : memref<8x4096xf32, #tpu.memory_space<vmem>>, vector<16xf32>,
      %parallel_loop3A_155 = arith.mulf %parallel_loop3A_119, %parallel_loop3A_104 : vector<16xf32>
      %parallel_loop3A_156 = arith.addf %parallel_loop3A_100, %parallel_loop3A_155 : vector<16xf32>
      %parallel_loop3A_157 = arith.mulf %parallel_loop3A_119, %parallel_loop3A_112 : vector<16xf32>
      %parallel_loop3A_158 = arith.addf %parallel_loop3A_108, %parallel_loop3A_157 : vector<16xf32>
      %parallel_loop3A_159 = arith.mulf %parallel_loop3A_120, %parallel_loop3A_158 : vector<16xf32>
      %parallel_loop3A_160 = arith.addf %parallel_loop3A_156, %parallel_loop3A_159 : vector<16xf32>
      %parallel_loop3A_161 = arith.constant 1 : i32
      %parallel_loop3A_162 = arith.index_cast %parallel_loop3A_161 : i32 to index
      %parallel_loop3A_163 = arith.index_cast %parallel_loop3A_92 : i32 to index
      %parallel_loop3A_164 = tpu.vector_load %arg13[%parallel_loop3A_162, %parallel_loop3A_163] {strides = array<i32>} : memref<8x4096xf32, #tpu.memory_space<vmem>>, vector<16xf32>,
      tpu.vector_store %arg13[%parallel_loop3A_162, %parallel_loop3A_163], %parallel_loop3A_160 {strides = array<i32>} : memref<8x4096xf32, #tpu.memory_space<vmem>>, vector<16xf32>,
      %parallel_loop3A_165 = arith.mulf %parallel_loop3A_123, %parallel_loop3A_104 : vector<16xf32>
      %parallel_loop3A_166 = arith.addf %parallel_loop3A_100, %parallel_loop3A_165 : vector<16xf32>
      %parallel_loop3A_167 = arith.mulf %parallel_loop3A_123, %parallel_loop3A_112 : vector<16xf32>
      %parallel_loop3A_168 = arith.addf %parallel_loop3A_108, %parallel_loop3A_167 : vector<16xf32>
      %parallel_loop3A_169 = arith.mulf %parallel_loop3A_124, %parallel_loop3A_168 : vector<16xf32>
      %parallel_loop3A_170 = arith.addf %parallel_loop3A_166, %parallel_loop3A_169 : vector<16xf32>
      %parallel_loop3A_171 = arith.constant 2 : i32
      %parallel_loop3A_172 = arith.index_cast %parallel_loop3A_171 : i32 to index
      %parallel_loop3A_173 = arith.index_cast %parallel_loop3A_92 : i32 to index
      %parallel_loop3A_174 = tpu.vector_load %arg13[%parallel_loop3A_172, %parallel_loop3A_173] {strides = array<i32>} : memref<8x4096xf32, #tpu.memory_space<vmem>>, vector<16xf32>,
      tpu.vector_store %arg13[%parallel_loop3A_172, %parallel_loop3A_173], %parallel_loop3A_170 {strides = array<i32>} : memref<8x4096xf32, #tpu.memory_space<vmem>>, vector<16xf32>,
      %parallel_loop3A_175 = arith.mulf %parallel_loop3A_127, %parallel_loop3A_104 : vector<16xf32>
      %parallel_loop3A_176 = arith.addf %parallel_loop3A_100, %parallel_loop3A_175 : vector<16xf32>
      %parallel_loop3A_177 = arith.mulf %parallel_loop3A_127, %parallel_loop3A_112 : vector<16xf32>
      %parallel_loop3A_178 = arith.addf %parallel_loop3A_108, %parallel_loop3A_177 : vector<16xf32>
      %parallel_loop3A_179 = arith.mulf %parallel_loop3A_128, %parallel_loop3A_178 : vector<16xf32>
      %parallel_loop3A_180 = arith.addf %parallel_loop3A_176, %parallel_loop3A_179 : vector<16xf32>
      %parallel_loop3A_181 = arith.constant 3 : i32
      %parallel_loop3A_182 = arith.index_cast %parallel_loop3A_181 : i32 to index
      %parallel_loop3A_183 = arith.index_cast %parallel_loop3A_92 : i32 to index
      %parallel_loop3A_184 = tpu.vector_load %arg13[%parallel_loop3A_182, %parallel_loop3A_183] {strides = array<i32>} : memref<8x4096xf32, #tpu.memory_space<vmem>>, vector<16xf32>,
      tpu.vector_store %arg13[%parallel_loop3A_182, %parallel_loop3A_183], %parallel_loop3A_180 {strides = array<i32>} : memref<8x4096xf32, #tpu.memory_space<vmem>>, vector<16xf32>,
      %parallel_loop3A_185 = arith.mulf %parallel_loop3A_131, %parallel_loop3A_104 : vector<16xf32>
      %parallel_loop3A_186 = arith.addf %parallel_loop3A_100, %parallel_loop3A_185 : vector<16xf32>
      %parallel_loop3A_187 = arith.mulf %parallel_loop3A_131, %parallel_loop3A_112 : vector<16xf32>
      %parallel_loop3A_188 = arith.addf %parallel_loop3A_108, %parallel_loop3A_187 : vector<16xf32>
      %parallel_loop3A_189 = arith.mulf %parallel_loop3A_132, %parallel_loop3A_188 : vector<16xf32>
      %parallel_loop3A_190 = arith.addf %parallel_loop3A_186, %parallel_loop3A_189 : vector<16xf32>
      %parallel_loop3A_191 = arith.constant 4 : i32
      %parallel_loop3A_192 = arith.index_cast %parallel_loop3A_191 : i32 to index
      %parallel_loop3A_193 = arith.index_cast %parallel_loop3A_92 : i32 to index
      %parallel_loop3A_194 = tpu.vector_load %arg13[%parallel_loop3A_192, %parallel_loop3A_193] {strides = array<i32>} : memref<8x4096xf32, #tpu.memory_space<vmem>>, vector<16xf32>,
      tpu.vector_store %arg13[%parallel_loop3A_192, %parallel_loop3A_193], %parallel_loop3A_190 {strides = array<i32>} : memref<8x4096xf32, #tpu.memory_space<vmem>>, vector<16xf32>,
      %parallel_loop3A_195 = arith.mulf %parallel_loop3A_135, %parallel_loop3A_104 : vector<16xf32>
      %parallel_loop3A_196 = arith.addf %parallel_loop3A_100, %parallel_loop3A_195 : vector<16xf32>
      %parallel_loop3A_197 = arith.mulf %parallel_loop3A_135, %parallel_loop3A_112 : vector<16xf32>
      %parallel_loop3A_198 = arith.addf %parallel_loop3A_108, %parallel_loop3A_197 : vector<16xf32>
      %parallel_loop3A_199 = arith.mulf %parallel_loop3A_136, %parallel_loop3A_198 : vector<16xf32>
      %parallel_loop3A_200 = arith.addf %parallel_loop3A_196, %parallel_loop3A_199 : vector<16xf32>
      %parallel_loop3A_201 = arith.constant 5 : i32
      %parallel_loop3A_202 = arith.index_cast %parallel_loop3A_201 : i32 to index
      %parallel_loop3A_203 = arith.index_cast %parallel_loop3A_92 : i32 to index
      %parallel_loop3A_204 = tpu.vector_load %arg13[%parallel_loop3A_202, %parallel_loop3A_203] {strides = array<i32>} : memref<8x4096xf32, #tpu.memory_space<vmem>>, vector<16xf32>,
      tpu.vector_store %arg13[%parallel_loop3A_202, %parallel_loop3A_203], %parallel_loop3A_200 {strides = array<i32>} : memref<8x4096xf32, #tpu.memory_space<vmem>>, vector<16xf32>,
      %parallel_loop3A_205 = arith.mulf %parallel_loop3A_139, %parallel_loop3A_104 : vector<16xf32>
      %parallel_loop3A_206 = arith.addf %parallel_loop3A_100, %parallel_loop3A_205 : vector<16xf32>
      %parallel_loop3A_207 = arith.mulf %parallel_loop3A_139, %parallel_loop3A_112 : vector<16xf32>
      %parallel_loop3A_208 = arith.addf %parallel_loop3A_108, %parallel_loop3A_207 : vector<16xf32>
      %parallel_loop3A_209 = arith.mulf %parallel_loop3A_140, %parallel_loop3A_208 : vector<16xf32>
      %parallel_loop3A_210 = arith.addf %parallel_loop3A_206, %parallel_loop3A_209 : vector<16xf32>
      %parallel_loop3A_211 = arith.constant 6 : i32
      %parallel_loop3A_212 = arith.index_cast %parallel_loop3A_211 : i32 to index
      %parallel_loop3A_213 = arith.index_cast %parallel_loop3A_92 : i32 to index
      %parallel_loop3A_214 = tpu.vector_load %arg13[%parallel_loop3A_212, %parallel_loop3A_213] {strides = array<i32>} : memref<8x4096xf32, #tpu.memory_space<vmem>>, vector<16xf32>,
      tpu.vector_store %arg13[%parallel_loop3A_212, %parallel_loop3A_213], %parallel_loop3A_210 {strides = array<i32>} : memref<8x4096xf32, #tpu.memory_space<vmem>>, vector<16xf32>,
      %parallel_loop3A_215 = arith.mulf %parallel_loop3A_143, %parallel_loop3A_104 : vector<16xf32>
      %parallel_loop3A_216 = arith.addf %parallel_loop3A_100, %parallel_loop3A_215 : vector<16xf32>
      %parallel_loop3A_217 = arith.mulf %parallel_loop3A_143, %parallel_loop3A_112 : vector<16xf32>
      %parallel_loop3A_218 = arith.addf %parallel_loop3A_108, %parallel_loop3A_217 : vector<16xf32>
      %parallel_loop3A_219 = arith.mulf %parallel_loop3A_144, %parallel_loop3A_218 : vector<16xf32>
      %parallel_loop3A_220 = arith.addf %parallel_loop3A_216, %parallel_loop3A_219 : vector<16xf32>
      %parallel_loop3A_221 = arith.constant 7 : i32
      %parallel_loop3A_222 = arith.index_cast %parallel_loop3A_221 : i32 to index
      %parallel_loop3A_223 = arith.index_cast %parallel_loop3A_92 : i32 to index
      %parallel_loop3A_224 = tpu.vector_load %arg13[%parallel_loop3A_222, %parallel_loop3A_223] {strides = array<i32>} : memref<8x4096xf32, #tpu.memory_space<vmem>>, vector<16xf32>,
      tpu.vector_store %arg13[%parallel_loop3A_222, %parallel_loop3A_223], %parallel_loop3A_220 {strides = array<i32>} : memref<8x4096xf32, #tpu.memory_space<vmem>>, vector<16xf32>,
    } {sc.loop_unroll_factor = 2 : i64, sc.parallel_access}
    %dma_start3A_78 = arith.constant 0 : i32
    %dma_start3A_79 = tpu.memref_slice %arg6[%add3A_66, %dma_start3A_78] : memref<1024x4096xf32, #tpu.memory_space<hbm>> -> memref<8x4096xf32, #tpu.memory_space<hbm>>
    %dma_start3A_80 = arith.constant 0 : i32
    %dma_start3A_81 = tpu.memref_slice %arg6[%add3A_66, %dma_start3A_80] : memref<1024x4096xf32, #tpu.memory_space<hbm>> -> memref<8x4096xf32, #tpu.memory_space<hbm>>
    tpu.enqueue_dma source(%arg13 : memref<8x4096xf32, #tpu.memory_space<vmem>>) target(%dma_start3A_81 : memref<8x4096xf32, #tpu.memory_space<hbm>>) target_semaphore(%arg20 : memref<!tpu.dma_semaphore, #tpu.memory_space<semaphore_mem>>)
    %dma_wait3A_82 = arith.constant 0 : i32
    %dma_wait3A_83 = tpu.memref_slice %arg6[%add3A_43, %dma_wait3A_82] : memref<1024x4096xf32, #tpu.memory_space<hbm>> -> memref<8x4096xf32, #tpu.memory_space<hbm>>
    %dma_wait3A_84 = arith.constant 0 : i32
    %dma_wait3A_85 = tpu.memref_slice %arg6[%add3A_43, %dma_wait3A_84] : memref<1024x4096xf32, #tpu.memory_space<hbm>> -> memref<8x4096xf32, #tpu.memory_space<hbm>>
    tpu.wait_dma2 semaphore(%arg19 : memref<!tpu.dma_semaphore, #tpu.memory_space<semaphore_mem>>) src(%arg12 : memref<8x4096xf32, #tpu.memory_space<vmem>>) dst(%dma_wait3A_85 : memref<8x4096xf32, #tpu.memory_space<hbm>>)
    %dma_wait3A_86 = arith.constant 0 : i32
    %dma_wait3A_87 = tpu.memref_slice %arg6[%add3A_66, %dma_wait3A_86] : memref<1024x4096xf32, #tpu.memory_space<hbm>> -> memref<8x4096xf32, #tpu.memory_space<hbm>>
    %dma_wait3A_88 = arith.constant 0 : i32
    %dma_wait3A_89 = tpu.memref_slice %arg6[%add3A_66, %dma_wait3A_88] : memref<1024x4096xf32, #tpu.memory_space<hbm>> -> memref<8x4096xf32, #tpu.memory_space<hbm>>
    tpu.wait_dma2 semaphore(%arg20 : memref<!tpu.dma_semaphore, #tpu.memory_space<semaphore_mem>>) src(%arg13 : memref<8x4096xf32, #tpu.memory_space<vmem>>) dst(%dma_wait3A_89 : memref<8x4096xf32, #tpu.memory_space<hbm>>)
    return
  }
}

module attributes {stable_mosaic.version = 14 : i64} {
  func.func @_coef_body(%arg0: memref<16x4096xf32, #tpu.memory_space<vmem>>, %arg1: memref<2x4096xi32, #tpu.memory_space<vmem>>, %arg2: memref<4x16xf32, #tpu.memory_space<vmem>>, %arg3: memref<8x4096xf32, #tpu.memory_space<any>>, %arg4: memref<4096xi32, #tpu.memory_space<any>>, %arg5: memref<4096xi32, #tpu.memory_space<any>>, %arg6: memref<8x4096xf32, #tpu.memory_space<vmem>>, %arg7: memref<4096xi32, #tpu.memory_space<vmem>>, %arg8: memref<4096xi32, #tpu.memory_space<vmem>>, %arg9: memref<!tpu.dma_semaphore, #tpu.memory_space<semaphore_mem>>, %arg10: memref<!tpu.dma_semaphore, #tpu.memory_space<semaphore_mem>>, %arg11: memref<!tpu.dma_semaphore, #tpu.memory_space<semaphore_mem>>) attributes {dimension_semantics = [], scalar_prefetch = 0 : i64, scratch_operands = 6 : i64, tpu.core_type = #tpu.core_type<tc>} {
    %get3A = arith.constant 0 : index
    %get3A_0 = arith.constant 0 : index
    %get3A_1 = vector.load %arg0[%get3A, %get3A_0] : memref<16x4096xf32, #tpu.memory_space<vmem>>, vector<16x4096xf32>
    %reduce_max3A = arith.constant dense<0xFF800000> : vector<4096xf32>
    %reduce_max3A_2 = vector.multi_reduction <maximumf>, %get3A_1, %reduce_max3A [0] : vector<16x4096xf32> to vector<4096xf32>
    %broadcast_in_dim3A = vector.shape_cast %reduce_max3A_2 : vector<4096xf32> to vector<1x4096xf32>
    %sub3A = vector.broadcast %broadcast_in_dim3A : vector<1x4096xf32> to vector<16x4096xf32>
    %sub3A_3 = arith.subf %get3A_1, %sub3A : vector<16x4096xf32>
    %exp3A = math.exp %sub3A_3 : vector<16x4096xf32>
    %reduce_sum3A = arith.constant dense<0.000000e+00> : vector<4096xf32>
    %reduce_sum3A_4 = vector.multi_reduction <add>, %exp3A, %reduce_sum3A [0] : vector<16x4096xf32> to vector<4096xf32>
    %broadcast_in_dim3A_5 = vector.shape_cast %reduce_sum3A_4 : vector<4096xf32> to vector<1x4096xf32>
    %div3A = vector.broadcast %broadcast_in_dim3A_5 : vector<1x4096xf32> to vector<16x4096xf32>
    %div3A_6 = arith.divf %exp3A, %div3A : vector<16x4096xf32>
    %get3A_7 = arith.constant 0 : index
    %get3A_8 = arith.constant 0 : index
    %get3A_9 = vector.load %arg2[%get3A_7, %get3A_8] : memref<4x16xf32, #tpu.memory_space<vmem>>, vector<4x16xf32>
    %dot_general3A = arith.constant dense<0.000000e+00> : vector<4x4096xf32>
    %dot_general3A_10 = tpu.matmul %get3A_9, %div3A_6, %dot_general3A {dimension_numbers = #tpu.dot_dimension_numbers<[1], [0], [0], [1], [0, 0, 1, 1], [], []>, transpose_lhs_hint = false} : vector<4x16xf32>, vector<16x4096xf32>, vector<4x4096xf32> -> vector<4x4096xf32>
    %broadcast_in_dim3A_11 = arith.constant 0.000000e+00 : f32
    %broadcast_in_dim3A_12 = vector.broadcast %broadcast_in_dim3A_11 : f32 to vector<4x4096xf32>
    %concatenate3A = tpu.concatenate %dot_general3A_10, %broadcast_in_dim3A_12 in 0 : vector<4x4096xf32>, vector<4x4096xf32> -> vector<8x4096xf32>
    %swap3A = arith.constant 0 : index
    %swap3A_13 = arith.constant 0 : index
    %swap3A_14 = vector.load %arg6[%swap3A, %swap3A_13] : memref<8x4096xf32, #tpu.memory_space<vmem>>, vector<8x4096xf32>
    tpu.vector_store %arg6[%swap3A, %swap3A_13], %concatenate3A {strides = array<i32>} : memref<8x4096xf32, #tpu.memory_space<vmem>>, vector<8x4096xf32>,
    %get3A_15 = arith.constant 0 : index
    %get3A_16 = arith.constant 0 : index
    %get3A_17 = vector.load %arg1[%get3A_15, %get3A_16] : memref<2x4096xi32, #tpu.memory_space<vmem>>, vector<1x4096xi32>
    %get3A_18 = vector.shape_cast %get3A_17 : vector<1x4096xi32> to vector<4096xi32>
    %swap3A_19 = arith.constant 0 : index
    %swap3A_20 = vector.load %arg7[%swap3A_19] : memref<4096xi32, #tpu.memory_space<vmem>>, vector<4096xi32>
    tpu.vector_store %arg7[%swap3A_19], %get3A_18 {strides = array<i32>} : memref<4096xi32, #tpu.memory_space<vmem>>, vector<4096xi32>,
    %get3A_21 = arith.constant 1 : index
    %get3A_22 = arith.constant 0 : index
    %get3A_23 = vector.load %arg1[%get3A_21, %get3A_22] : memref<2x4096xi32, #tpu.memory_space<vmem>>, vector<1x4096xi32>
    %get3A_24 = vector.shape_cast %get3A_23 : vector<1x4096xi32> to vector<4096xi32>
    %swap3A_25 = arith.constant 0 : index
    %swap3A_26 = vector.load %arg8[%swap3A_25] : memref<4096xi32, #tpu.memory_space<vmem>>, vector<4096xi32>
    tpu.vector_store %arg8[%swap3A_25], %get3A_24 {strides = array<i32>} : memref<4096xi32, #tpu.memory_space<vmem>>, vector<4096xi32>,
    tpu.enqueue_dma source(%arg6 : memref<8x4096xf32, #tpu.memory_space<vmem>>) target(%arg3 : memref<8x4096xf32, #tpu.memory_space<any>>) target_semaphore(%arg9 : memref<!tpu.dma_semaphore, #tpu.memory_space<semaphore_mem>>)
    tpu.enqueue_dma source(%arg7 : memref<4096xi32, #tpu.memory_space<vmem>>) target(%arg4 : memref<4096xi32, #tpu.memory_space<any>>) target_semaphore(%arg10 : memref<!tpu.dma_semaphore, #tpu.memory_space<semaphore_mem>>)
    tpu.enqueue_dma source(%arg8 : memref<4096xi32, #tpu.memory_space<vmem>>) target(%arg5 : memref<4096xi32, #tpu.memory_space<any>>) target_semaphore(%arg11 : memref<!tpu.dma_semaphore, #tpu.memory_space<semaphore_mem>>)
    tpu.wait_dma2 semaphore(%arg9 : memref<!tpu.dma_semaphore, #tpu.memory_space<semaphore_mem>>) src(%arg6 : memref<8x4096xf32, #tpu.memory_space<vmem>>) dst(%arg3 : memref<8x4096xf32, #tpu.memory_space<any>>)
    tpu.wait_dma2 semaphore(%arg10 : memref<!tpu.dma_semaphore, #tpu.memory_space<semaphore_mem>>) src(%arg7 : memref<4096xi32, #tpu.memory_space<vmem>>) dst(%arg4 : memref<4096xi32, #tpu.memory_space<any>>)
    tpu.wait_dma2 semaphore(%arg11 : memref<!tpu.dma_semaphore, #tpu.memory_space<semaphore_mem>>) src(%arg8 : memref<4096xi32, #tpu.memory_space<vmem>>) dst(%arg5 : memref<4096xi32, #tpu.memory_space<any>>)
    return
  }
}

</mosaic_0001>

<sc_bundles>
// kernel: kernel.4.cloned.1.call-start
scs
__scs_entry_jumppad:
0x0: {  	(pc) =	sbr.rel $0x88, $3  }
0x1: {  	(tag) =	ssettag $0x0;
	lr =	simm.s32 $0x1  }
0x2: {  	[smem:$0x3F9E] =	sst lr;
	_ =	strace $0xD0000000  }
0x3: {  	_ = 	snop  }
0x4: {  	_ = 	snop  }
0x5: {  	_ = 	snop  }
0x6: {  	_ = 	snop  }
0x7: {  	_ = 	snop  }
__scs_overlays_trampoline_lowered:
0x8: {  	[smem:$0x3FAD] =	sst s0  }
0x9: {  	[smem:$0x3FAE] =	sst s1  }
0xa: {  	[smem:$0x3FAF] =	sst s2  }
0xb: {  	[smem:$0x3FB0] =	sst s3  }
0xc: {  	[smem:$0x3FB1] =	sst s4  }
0xd: {  	[smem:$0x3FB2] =	sst s5  }
0xe: {  	[smem:$0x3FB3] =	sst s6  }
0xf: {  	[smem:$0x3FB4] =	sst s7  }
0x10: {  	[smem:$0x3FB5] =	sst s8  }
0x11: {  	[smem:$0x3FB6] =	sst s9;
	s0 =	simm.s32 @!p0 $0x0  }
0x12: {  	s1 =	sld [smem:$0x3F9C];
	s0 =	simm.s32 @p0 $0x1  }
0x13: {  	[smem:$0x3FB7] =	sst s0;
	s0 =	simm.s32 @!p1 $0x0  }
0x14: {  	s2 =	sld [smem:$0x3F9B];
	s0 =	simm.s32 @p1 $0x1  }
0x15: {  	[smem:$0x3FB8] =	sst s0;
	s0 =	simm.s32 @!p2 $0x0  }
0x16: {  	s3 =	sld [smem:$0x3FDB];
	s0 =	simm.s32 @p2 $0x1  }
0x17: {  	s4 =	simm.s32 $0x1BF5;
	[smem:$0x3FBA] =	sst s0  }
0x18: {  	s0 =	sld [smem:$0x3F9D];
	_ =	swait.ge [sflag:s4], $0x0  }
0x19: {  	s7 =	sld [smem:$0x3F9E]  }
0x1a: {  	s8 =	sadd.s32 $0xFFFFE003, lr  }
0x1b: {  	s9 =	sadd.s32 $0xFFFFFEF7, lr;
	s5 =	simm.s32 $0xFFFFFFFF;
	p2 =	slt.u32 s8, $0xFFFFF086  }
0x1c: {  	p1 =	slt.u32 s9, $0xF7A;
	s5 =	simm.s32 @!p2 $0x0  }
0x1d: {  	s5 =	simm.s32 @p1 $0x1;
	p0 =	seq.s32 s7, s2  }
0x1e: {  	s7 =	smul.u32 @!p0 $0xF7A, s2;
	p2 =	seq.s32 @!p0 s5, $0x0  }
0x1f: {  	s9 =	smul.u32 $0xF7A, s1;
	s8 =	simm.s32 @!p0 $0x1BF5;
	p2 =	por !p2, p0  }
0x20: {  	[sflag:s8] =	ssyncset.s32 @!p0 $0xFFFFF086;
	s6 =	sadd.s32 @!p0 s3, s7;
	s7 =	simm.s32 @!p0 $0x108  }
0x21: {  	s3 =	sadd.s32 s3, s9;
	s6 =	sadd.s32 @!p0 $0x88, s6;
	s7 =	simm.s32 @p2 $0x1082  }
0x22: {  	[simem:s7], [sflag:s8] =	dma.local @!p0 [hbm:s6], $0xF7A  }
0x23: {  	s9 =	sor.u32 $0xD0000000, s2;
	s6 =	simm.s32 $0x108;
	_ =	swait.ge @!p0 [sflag:s8], $0x0  }
0x24: {  	s3 =	sadd.s32 $0x88, s3;
	s6 =	simm.s32 @!p1 $0x1082;
	[sflag:s4] =	ssyncset.s32 $0xFFFFF086  }
0x25: {  	[simem:s6], [sflag:s4] =	dma.local [hbm:s3], $0xF7A  }
0x26: {  	[smem:$0x3F9E] =	sst s1;
	(tag) =	ssettag s2;
	_ =	strace s9  }
0x27: {  	s1 =	sld [smem:$0x3FAE]  }
0x28: {  	s2 =	sld [smem:$0x3FAF]  }
0x29: {  	s4 =	sld [smem:$0x3FB1]  }
0x2a: {  	p0 =	seq.s32 s5, $0x0;
	s5 =	sld [smem:$0x3FB2]  }
0x2b: {  	s6 =	sld [smem:$0x3FB3]  }
0x2c: {  	s7 =	sld [smem:$0x3FB4]  }
0x2d: {  	s3 =	simm.s32 $0x108;
	s8 =	sld [smem:$0x3FB5]  }
0x2e: {  	s3 =	simm.s32 @!p0 $0x1082;
	s9 =	sld [smem:$0x3FB6]  }
0x2f: {  	lr =	sadd.s32 s0, s3;
	s0 =	sld [smem:$0x3FAD]  }
0x30: {  	s3 =	sld [smem:$0x3FB0]  }
0x31: {  	[smem:$0x3FB9] =	sst s10  }
0x32: {  	s10 =	sld [smem:$0x3FB7];
	_ =	sdelay $0x3  }
0x33: {  	p0 =	seq.s32 s10, $0x1;
	s10 =	sld [smem:$0x3FB9];
	_ =	sdelay $0x3  }
0x34: {  	[smem:$0x3FB9] =	sst s10  }
0x35: {  	s10 =	sld [smem:$0x3FB8];
	_ =	sdelay $0x3  }
0x36: {  	p1 =	seq.s32 s10, $0x1;
	s10 =	sld [smem:$0x3FB9];
	_ =	sdelay $0x3  }
0x37: {  	[smem:$0x3FB9] =	sst s10  }
0x38: {  	s10 =	sld [smem:$0x3FBA]  }
0x39: {  	_ = 	snop;
	(pc) =	sbr.ind lr, $3  }
0x3a: {  	_ = 	snop  }
0x3b: {  	_ = 	snop  }
0x3c: {  	p2 =	seq.s32 s10, $0x1;
	s10 =	sld [smem:$0x3FB9]  }
0x3d: {  	_ =	shalt  }
0x3e: {  	_ =	shalt  }
0x3f: {  	_ =	shalt  }
0x40: {  	_ =	shalt  }
0x41: {  	_ =	shalt  }
0x42: {  	_ =	shalt  }
0x43: {  	_ =	shalt  }
0x44: {  	_ =	shalt  }
0x45: {  	_ =	shalt  }
0x46: {  	_ =	shalt  }
0x47: {  	_ =	shalt  }
0x48: {  	_ =	shalt  }
0x49: {  	_ =	shalt  }
0x4a: {  	_ =	shalt  }
0x4b: {  	_ =	shalt  }
0x4c: {  	_ =	shalt  }
0x4d: {  	_ =	shalt  }
0x4e: {  	_ =	shalt  }
0x4f: {  	_ =	shalt  }
0x50: {  	_ =	shalt  }
0x51: {  	_ =	shalt  }
0x52: {  	_ =	shalt  }
0x53: {  	_ =	shalt  }
0x54: {  	_ =	shalt  }
0x55: {  	_ =	shalt  }
0x56: {  	_ =	shalt  }
0x57: {  	_ =	shalt  }
0x58: {  	_ =	shalt  }
0x59: {  	_ =	shalt  }
0x5a: {  	_ =	shalt  }
0x5b: {  	_ =	shalt  }
0x5c: {  	_ =	shalt  }
0x5d: {  	_ =	shalt  }
0x5e: {  	_ =	shalt  }
0x5f: {  	_ =	shalt  }
0x60: {  	_ =	shalt  }
0x61: {  	_ =	shalt  }
0x62: {  	_ =	shalt  }
0x63: {  	_ =	shalt  }
0x64: {  	_ =	shalt  }
0x65: {  	_ =	shalt  }
0x66: {  	_ =	shalt  }
0x67: {  	_ =	shalt  }
0x68: {  	_ =	shalt  }
0x69: {  	_ =	shalt  }
0x6a: {  	_ =	shalt  }
0x6b: {  	_ =	shalt  }
0x6c: {  	_ =	shalt  }
0x6d: {  	_ =	shalt  }
0x6e: {  	_ =	shalt  }
0x6f: {  	_ =	shalt  }
0x70: {  	_ =	shalt  }
0x71: {  	_ =	shalt  }
0x72: {  	_ =	shalt  }
0x73: {  	_ =	shalt  }
0x74: {  	_ =	shalt  }
0x75: {  	_ =	shalt  }
0x76: {  	_ =	shalt  }
0x77: {  	_ =	shalt  }
0x78: {  	_ =	shalt  }
0x79: {  	_ =	shalt  }
0x7a: {  	_ =	shalt  }
0x7b: {  	_ =	shalt  }
0x7c: {  	_ =	shalt  }
0x7d: {  	_ =	shalt  }
0x7e: {  	_ =	shalt  }
0x7f: {  	_ =	shalt  }
0x80: {  	_ =	shalt  }
0x81: {  	_ =	shalt  }
0x82: {  	_ =	shalt  }
0x83: {  	_ =	shalt  }
0x84: {  	_ =	shalt  }
0x85: {  	_ =	shalt  }
0x86: {  	_ =	shalt  }
0x87: {  	_ =	shalt  }
.Lfunc_end0:
.L_simem_size_0:
called_computation_lowered:
.L_overlay_start_0:
0x88: {  	s2 =	sld [smem:$0x3FD9]  }
0x89: {  	s3 =	sld [smem:$0x3FFE];
	_ =	sdelay $0x1  }
0x8a: {  	s1 =	srdreg.scid  }
0x8b: {  	s0 =	sand.u32 $0x1, s1  }
0x8c: {  	s17 =	sshll.u32 s0, $0xA;
	s2 =	sadd.s32 s3, s2  }
0x8d: {  	s2 =	sadd.s32 s2, s17  }
0x8e: {  	[smem:$0x3FC5] =	sst s2  }
0x8f: {  	_ = 	snop  }
0x90: {  	s2 =	sld [smem:$0x3FC9]  }
0x91: {  	s18 =	sld [smem:$0x3FD0];
	(tm) =	ssettm $0x1  }
0x92: {  	s4 =	sld [smem:$0x3FFB];
	_ =	sdelay $0x3  }
0x93: {  	_ =	strace s4  }
0x94: {  	s4 =	sld [smem:$0x3FFC];
	_ =	sdelay $0x3  }
0x95: {  	_ =	strace s4  }
0x96: {  	s4 =	sld [smem:$0x3FFD];
	_ =	sdelay $0x3  }
0x97: {  	_ =	strace s4  }
0x98: {  	_ =	strace $0x8FFFFFFF  }
0x99: {  	s19 =	sld [smem:$0x3FDB];
	_ =	sdelay $0x1  }
0x9a: {  	s5 =	simm.s32 $_scs_section_size  }
0x9b: {  	s6 =	simm.s32 $_size__tile_overlayer_lowered;
	s7 =	simm.s32 $_tile_overlayer_lowered  }
0x9c: {  	s22 =	simm.s32 $0x1BFF;
	s21 =	sshll.u32 s7, $0x1;
	s4 =	sadd.s32 s5, s19  }
0x9d: {  	s8 =	simm.s32 $0x0;
	s20 =	sshll.u32 s6, $0x1;
	s6 =	sadd.s32 s21, s4  }
0x9e: {  	[timem:s8], [sflag:s22] =	dma.local [hbm:s6], s20  }
0x9f: {  	_ =	swait.ge [sflag:s22], s20  }
0xa0: {  	s5 =	ssub.s32 $0x0, s20;
	[sflag:s22] =	ssyncset.done $0x0  }
0xa1: {  	[sflag:s22] =	ssyncadd.s32 s5;
	_ =	sdelay $0x1  }
0xa2: {  	s23 =	simm.s32 $0x1B8B  }
0xa3: {  	_ =	swait.ge [sflag:s23], $0x1  }
0xa4: {  	[sflag:s23] =	ssyncset.done $0x0  }
0xa5: {  	s25 =	simm.s32 $0x1B8E;
	s24 =	sld [smem:$0x3FFE];
	[sflag:s23] =	ssyncadd.s32 $0xFFFFFFFF  }
0xa6: {  	s26 =	simm.s32 $execute0_lowered;
	[smem:$0x3FD2] =	sst s25  }
0xa7: {  	s6 =	sshll.u32 s26, $0x1;
	_ =	strace $0x80000046;
	[dreg:$0x1] =	wrdreg $0xFFFFFFFF  }
0xa8: {  	s28 =	simm.s32 $_size_execute0_lowered;
	s4 =	sadd.s32 s4, s6;
	[dreg:$0x0] =	wrdreg $0x0  }
0xa9: {  	s6 =	sshll.u32 s28, $0x1;
	[dreg:$0x2] =	wrdreg s4  }
0xaa: {  	[dreg:$0x3] =	wrdreg s6  }
0xab: {  	[dreg:$0x4] =	wrdreg $0xC0  }
0xac: {  	_ =	task [dreg:s8], $0x5FFFF  }
0xad: {  	[dreg:$0x1] =	wrdreg $0xFFFFFFFF  }
0xae: {  	[dreg:$0x0] =	wrdreg $0x60  }
0xaf: {  	[dreg:$0x2] =	wrdreg s2  }
0xb0: {  	[dreg:$0x3] =	wrdreg s24  }
0xb1: {  	[dreg:$0x4] =	wrdreg s18  }
0xb2: {  	[dreg:$0x5] =	wrdreg $0x9  }
0xb3: {  	_ =	task.clear_ibuf [dreg:s8], $0x6FFFF;
	_ =	strace $0x90000046  }
0xb4: {  	s29 =	simm.s32 $0x9;
	_ =	strace $0x80000048  }
0xb5: {  	_ =	swait.ge [sflag:s29], $0x1  }
0xb6: {  	[sflag:s29] =	ssyncadd.s32 $0xFFFFFFFF  }
0xb7: {  	_ =	strace $0x90000048  }
0xb8: {  	_ =	sfence  }
0xb9: {  	s30 =	sld [smem:$0x0];
	_ =	sdelay $0x2  }
0xba: {  	s31 =	sshll.u32 s1, $0xD;
	s1 =	sshrl.u32 s1, $0x2  }
0xbb: {  	s3 =	sand.u32 $0x4000, s31;
	s1 =	sadd.s32 s1, s30  }
0xbc: {  	s0 =	sor.u32 s3, s0;
	s1 =	sshll.u32 s1, $0x11  }
0xbd: {  	s0 =	sor.u32 s1, s0  }
0xbe: {  	s0 =	sadd.s32 $0x8F2B, s0  }
0xbf: {  	[sflag:s0] =	ssyncadd.remote.s32 $0x1  }
0xc0: {  	_ =	sfence.sel $0xFFFF  }
0xc1: {  	[dreg:$0x0] =	wrdreg $0xFFFFFFFF;
	(pc) =	sbr.abs _section_cstart, $3  }
0xc2: {  	[dreg:$0x1] =	wrdreg $0xFFFFFFFF  }
0xc3: {  	_ =	task.clear_ibuf [dreg:s8], $0x2FFFF;
	_ =	strace $0x9FFFFFFF  }
0xc4: {  	(tm) =	ssettm $0x7FFFFFFF  }
0xc5: {  	_ =	shalt  }
tec
execute0_lowered:
.L_overlay_start_1:
0x0: {  	(tag) =	ssettag $0x1  }
0x1: {  	s0 =	rddreg [dreg:$0x0]  }
0x2: {  	s2 =	rddreg [dreg:$0x1]  }
0x3: {  	s3 =	rddreg [dreg:$0x2]  }
0x4: {  	s1 =	simm.s32 $0x0;
	s4 =	srdreg.scid;
	s15 =	stileid.u32  }
0x5: {  	s28 =	simm.s32 $0x0;
	[smem:$0x7FF] =	sst s1;
	s5 =	sadd.s32 $0x2200, s2  }
0x6: {  	s6 =	sadd.s32 $0x2400, s2;
	_ =	strace $0x80000047;
	[dreg:$0x4] =	wrdreg s5  }
0x7: {  	s4 =	sand.u32 $0x1, s4;
	s2 =	sadd.s32 $0x1200, s2;
	[dreg:$0x5] =	wrdreg s6  }
0x8: {  	s5 =	sshll.u32 s15, $0x6;
	s16 =	sshll.u32 s4, $0x5;
	s17 =	ssub.s32 $0x2, s4  }
0x9: {  	[dreg:$0x6] =	wrdreg s2;
	s18 =	sor.u32 s16, s5;
	s19 =	sshrl.u32 s17, $0x1  }
0xa: {  	s16 =	simm.s32 $0xA000;
	s6 =	sshll.u32 s18, $0x7;
	s7 =	sshrl.u32 s18, $0x3  }
0xb: {  	s2 =	ssub.s32 s17, s19;
	s4 =	sshll.u32 s18, $0x9;
	s17 =	simm.s32 $0x1  }
0xc: {  	s18 =	simm.s32 $0x2;
	s19 =	simm.s32 $0x3;
	s20 =	sadd.s32 s0, s6  }
0xd: {  	s21 =	sor.u32 $0x1, s7;
	s8 =	sor.u32 $0x2, s7;
	s4 =	sadd.s32 s3, s4  }
0xe: {  	s25 =	sor.u32 $0x3, s7;
	s14 =	smax.u32 s2, $0x1;
	[dreg:$0x7] =	wrdreg s20  }
0xf: {  	s22 =	sshll.u32 s21, $0xA;
	[dreg:$0x9] =	wrdreg s4;
	s23 =	sshll.u32 s8, $0xA  }
0x10: {  	s24 =	sshll.u32 s21, $0xC;
	s26 =	sshll.u32 s25, $0xA;
	s6 =	sadd.s32 s0, s22  }
0x11: {  	s29 =	sshll.u32 s8, $0xC;
	s4 =	sadd.s32 s0, s23;
	[dreg:$0x8] =	wrdreg s6  }
0x12: {  	s31 =	sshll.u32 s25, $0xC;
	s0 =	sadd.s32 s0, s26;
	[dreg:$0xa] =	wrdreg s4  }
0x13: {  	s20 =	simm.s32 $0x4;
	s30 =	sadd.s32 s3, s29;
	[dreg:$0xc] =	wrdreg s0  }
0x14: {  	s21 =	simm.s32 $0xC000;
	s4 =	sadd.s32 s3, s24;
	[dreg:$0xd] =	wrdreg s30  }
0x15: {  	s25 =	simm.s32 $0x6;
	s0 =	sadd.s32 s3, s31;
	[dreg:$0xb] =	wrdreg s4  }
0x16: {  	s23 =	simm.s32 $0x5;
	s26 =	simm.s32 $0x7;
	[dreg:$0xe] =	wrdreg s0  }
.LBB2_1:
0x17: {  	s0 =	rddreg [dreg:$0x4]  }
0x18: {  	[tilespmem:s1], [sflag:$0x1] =	stream.linear.gather [hbm4b:s0+s1], $0x1000, $0x38;
	[tilespmem:$0x1E000] =	vst v63  }
0x19: {  	s11 =	simm.s32 $0x1000;
	s2 =	rddreg [dreg:$0x5]  }
0x1a: {  	[tilespmem:s11], [sflag:$0x2] =	stream.linear.gather [hbm4b:s2+s1], $0x1000, $0x38;
	[tilespmem:$0x1E000] =	vst v63  }
0x1b: {  	s12 =	rddreg [dreg:$0x6];
	s3 =	simm.s32 $0x2000  }
0x1c: {  	[tilespmem:s3], [sflag:$0x3] =	stream.linear.gather [hbm4b:s12+s1], $0x8000, $0x38;
	[tilespmem:$0x1E000] =	vst v63  }
0x1d: {  	s13 =	rddreg [dreg:$0x7]  }
0x1e: {  	[tilespmem:s16], [sflag:$0x4] =	stream.linear.gather [hbm4b:s13+s1], $0x2000, $0x38;
	[tilespmem:$0x1E000] =	vst v63  }
0x1f: {  	_ =	swait.ge [sflag:s17], $0x1000  }
0x20: {  	[sflag:s17] =	ssyncset.done $0x0  }
0x21: {  	[sflag:s17] =	ssyncadd.s32 $0xFFFFF000  }
0x22: {  	_ =	swait.ge [sflag:s18], $0x1000  }
0x23: {  	[sflag:s18] =	ssyncset.done $0x0  }
0x24: {  	[sflag:s18] =	ssyncadd.s32 $0xFFFFF000  }
0x25: {  	_ =	swait.ge [sflag:s19], $0x8000  }
0x26: {  	[sflag:s19] =	ssyncset.done $0x0  }
0x27: {  	[sflag:s19] =	ssyncadd.s32 $0xFFFF8000  }
0x28: {  	s29 =	sand.u32 $0x60, s1;
	_ =	swait.ge [sflag:s20], $0x2000  }
0x29: {  	s22 =	sand.u32 $0xF80, s1;
	s30 =	sor.u32 $0x10, s29;
	[sflag:s20] =	ssyncset.done $0x0  }
0x2a: {  	s2 =	sor.u32 s22, s30;
	s15 =	rddreg [dreg:$0x8];
	[sflag:s20] =	ssyncadd.s32 $0xFFFFE000  }
0x2b: {  	[tilespmem:s21], [sflag:$0x5] =	stream.linear.gather [hbm4b:s15+s1], $0x2000, $0x38;
	[tilespmem:$0x1E000] =	vst v63  }
0x2c: {  	v0 =	vld [tilespmem:s2+$0x0]  }
0x2d: {  	v1 =	vld [tilespmem:s2+$0x1000];
	_ =	sdelay $0x2  }
0x2e: {  	s24 =	sand.u32 $0x7C00, s1;
	v7 =	vld [tilespmem:s11+$0x0]  }
0x2f: {  	s31 =	sor.u32 s29, s24;
	v8 =	vld [tilespmem:s1+$0x0];
	v3 =	vshll.u32 v0, $0x3  }
0x30: {  	s0 =	sor.u32 s24, s30;
	v2 =	vld [tilespmem:s31+$0x2080];
	v4 =	vand.u32 $0x7F, v0;
	v5 =	vshll.u32 v1, $0x3;
	v3 =	vand.u32 $0xFFFFFC00, v3  }
0x31: {  	v6 =	vld [tilespmem:s0+$0x2180];
	v1 =	vand.u32 $0x7F, v1;
	v5 =	vand.u32 $0xFFFFFC00, v5;
	v9 =	vor.u32 v4, v3  }
0x32: {  	v24 =	vld [tilespmem:s31+$0x2180];
	v12 =	vor.u32 v1, v5  }
0x33: {  	v3 =	vld [tilespmem:s0+$0x2080];
	v10 =	vor.u32 $0x300, v9  }
0x34: {  	v17 =	vshll.u32 v7, $0x3;
	v7 =	vand.u32 $0x7F, v7;
	v5 =	vld [tilespmem:s0+$0x2100];
	v15 =	vor.u32 $0x380, v9  }
0x35: {  	v17 =	vand.u32 $0xFFFFFC00, v17;
	v1 =	vld [tilespmem:s0+$0x2000];
	v11 =	vor.u32 $0x80, v9;
	v16 =	vor.u32 $0x180, v9  }
0x36: {  	v13 =	vor.u32 $0x100, v9;
	v14 =	vor.u32 $0x200, v9;
	v21 =	vor.u32 $0x280, v9;
	v9 =	vld.idx.msk [tilespmem:v9+s16+$0x0], $0xffff  }
0x37: {  	v7 =	vor.u32 v7, v17;
	v17 =	vshll.u32 v8, $0x3;
	v19 =	vld.idx.msk [tilespmem:v12+s16+$0x0], $0xffff  }
0x38: {  	v8 =	vand.u32 $0x7F, v8;
	v17 =	vand.u32 $0xFFFFFC00, v17;
	v33 =	vor.u32 $0x180, v12;
	v27 =	vld.idx.msk [tilespmem:v10+s16+$0x0], $0xffff  }
0x39: {  	v22 =	vor.u32 v8, v17;
	v17 =	vld.idx.msk [tilespmem:v15+s16+$0x0], $0xffff  }
0x3a: {  	v31 =	vor.u32 $0x100, v22;
	v16 =	vld.idx.msk [tilespmem:v16+s16+$0x0], $0xffff  }
0x3b: {  	v18 =	vor.u32 $0x80, v12;
	v42 =	vor.u32 $0x100, v12;
	v29 =	vor.u32 $0x180, v22;
	v11 =	vld.idx.msk [tilespmem:v11+s16+$0x0], $0xffff  }
0x3c: {  	v32 =	vor.u32 $0x80, v7;
	v20 =	vor.u32 $0x100, v7;
	v30 =	vor.u32 $0x380, v12;
	v14 =	vld.idx.msk [tilespmem:v14+s16+$0x0], $0xffff  }
0x3d: {  	v36 =	vor.u32 $0x380, v7;
	v44 =	vor.u32 $0x280, v7;
	v23 =	vor.u32 $0x80, v22;
	v40 =	vld.idx.msk [tilespmem:v33+s16+$0x0], $0xffff  }
0x3e: {  	v60 =	vor.u32 $0x300, v7;
	v8 =	vor.u32 $0x200, v12;
	v37 =	vld.idx.msk [tilespmem:v22+s16+$0x0], $0xffff;
	v15 =	vmul.f32 v9, v6  }
0x3f: {  	v25 =	vor.u32 $0x280, v22;
	v33 =	vld.idx.msk [tilespmem:v31+s16+$0x0], $0xffff;
	v9 =	vmul.f32 v9, v3;
	v34 =	vmul.f32 v16, v3  }
0x40: {  	v26 =	vor.u32 $0x200, v22;
	v46 =	vld.idx.msk [tilespmem:v29+s16+$0x0], $0xffff;
	v35 =	vmul.f32 v16, v6;
	v39 =	vmul.f32 v11, v3  }
0x41: {  	v10 =	vor.u32 $0x180, v7;
	v18 =	vld.idx.msk [tilespmem:v18+s16+$0x0], $0xffff;
	v11 =	vmul.f32 v11, v6;
	v43 =	vmul.f32 v14, v6  }
0x42: {  	v45 =	vld.idx.msk [tilespmem:v23+s16+$0x0], $0xffff;
	v23 =	vmul.f32 v27, v6;
	v62 =	vmul.f32 v14, v3;
	v28 =	vadd.f32 v15, v5  }
0x43: {  	v4 =	vld [tilespmem:s31+$0x2100];
	v9 =	vadd.f32 v9, v1;
	v61 =	vmul.f32 v37, v2;
	v35 =	vadd.f32 v35, v5  }
0x44: {  	v25 =	vld.idx.msk [tilespmem:v25+s16+$0x0], $0xffff;
	v41 =	vadd.f32 v34, v1;
	v59 =	vadd.f32 v11, v5;
	v34 =	vor.u32 $0x300, v12  }
0x45: {  	v0 =	vld [tilespmem:s31+$0x2000];
	v23 =	vadd.f32 v23, v5;
	v63 =	vmul.f32 v46, v24;
	v49 =	vmul.f32 v33, v24  }
0x46: {  	v15 =	vld.idx.msk [tilespmem:v10+s16+$0x0], $0xffff;
	v46 =	vmul.f32 v46, v2;
	v10 =	vmul.f32 v28, v19;
	v28 =	vor.u32 $0x300, v22  }
0x47: {  	v26 =	vld.idx.msk [tilespmem:v26+s16+$0x0], $0xffff;
	v19 =	vmul.f32 v17, v6;
	v22 =	vor.u32 $0x380, v22;
	v18 =	vmul.f32 v59, v18  }
0x48: {  	v14 =	vld.idx.msk [tilespmem:v44+s16+$0x0], $0xffff;
	v44 =	vadd.f32 v63, v4;
	v16 =	vadd.f32 v10, v9;
	v9 =	vmul.f32 v17, v3  }
0x49: {  	v38 =	vld.idx.msk [tilespmem:v7+s16+$0x0], $0xffff;
	v10 =	vadd.f32 v19, v5;
	v17 =	vor.u32 $0x200, v7;
	v7 =	vmul.f32 v25, v2  }
0x4a: {  	v11 =	vadd.f32 v9, v1;
	v9 =	vmul.f32 v25, v24;
	v25 =	vmul.f32 v37, v24;
	v37 =	vld.idx.msk [tilespmem:v13+s16+$0x0], $0xffff  }
0x4b: {  	v7 =	vadd.f32 v7, v0;
	v19 =	vld.idx.msk [tilespmem:v28+s16+$0x0], $0xffff;
	v28 =	vor.u32 $0x280, v12;
	v12 =	vadd.f32 v39, v1  }
0x4c: {  	v13 =	vadd.f32 v43, v5;
	v43 =	vmul.f32 v45, v2;
	v47 =	vld.idx.msk [tilespmem:v22+s16+$0x0], $0xffff;
	v22 =	vmul.f32 v26, v24  }
0x4d: {  	v29 =	vadd.f32 v25, v4;
	v25 =	vld.idx.msk [tilespmem:v60+s16+$0x0], $0xffff;
	v31 =	vadd.f32 v18, v12;
	v12 =	vmul.f32 v35, v40  }
0x4e: {  	v9 =	vadd.f32 v9, v4;
	v18 =	vld.idx.msk [tilespmem:v20+s16+$0x0], $0xffff;
	v20 =	vmul.f32 v26, v2;
	v22 =	vadd.f32 v22, v4  }
0x4f: {  	v26 =	vld.idx.msk [tilespmem:v36+s16+$0x0], $0xffff;
	v36 =	vadd.f32 v61, v0;
	v29 =	vmul.f32 v29, v38;
	v35 =	vadd.f32 v12, v41  }
0x50: {  	v30 =	vld.idx.msk [tilespmem:v30+s16+$0x0], $0xffff;
	v12 =	vmul.f32 v45, v24;
	v20 =	vadd.f32 v20, v0;
	v48 =	vmul.f32 v19, v24  }
0x51: {  	s4 =	simm.s32 $0x0;
	s5 =	simm.s32 $0x1020;
	s6 =	simm.s32 $0x20;
	v21 =	vld.idx.msk [tilespmem:v21+s16+$0x0], $0xffff;
	v40 =	vmul.f32 v47, v24;
	v24 =	vmul.f32 v27, v3;
	v27 =	vadd.f32 v49, v4  }
0x52: {  	s7 =	simm.s32 $0x0;
	s22 =	simm.s32 $0x1;
	s3 =	simm.s32 $0x0;
	v41 =	vld.idx.msk [tilespmem:v32+s16+$0x0], $0xffff;
	v45 =	vmul.f32 v37, v6;
	v39 =	vadd.f32 v12, v4;
	v32 =	vadd.f32 v48, v4  }
0x53: {  	s15 =	simm.s32 $0x0;
	s2 =	sadd.s32 $0xE000, s24;
	s24 =	simm.s32 $0x20;
	v42 =	vld.idx.msk [tilespmem:v42+s16+$0x0], $0xffff;
	v38 =	vmul.f32 v47, v2;
	v12 =	vadd.f32 v62, v1;
	v24 =	vadd.f32 v24, v1  }
.LBB2_2:
0x54: {  	s9 =	sand.u32 $0x60, s24;
	s4 =	sadd.s32 $0x2, s4;
	v15 =	vmul.f32 v44, v15;
	v25 =	vmul.f32 v32, v25;
	v4 =	vadd.f32 v40, v4;
	v32 =	vld.idx.msk [tilespmem:v34+s16+$0x0], $0xffff;
	s7 =	sadd.s32 $0x100, s7  }
0x55: {  	s10 =	sand.u32 $0xF80, s24;
	v40 =	vmul.f32 v19, v2;
	v19 =	vadd.f32 v38, v0;
	s8 =	sor.u32 $0x10, s9;
	p0 =	slt.u32 s4, $0xFE;
	v34 =	vadd.f32 v46, v0;
	v28 =	vld.idx.msk [tilespmem:v28+s16+$0x0], $0xffff  }
0x56: {  	v2 =	vmul.f32 v33, v2;
	s10 =	sor.u32 s10, s8;
	v4 =	vmul.f32 v4, v26;
	v8 =	vld.idx.msk [tilespmem:v8+s16+$0x0], $0xffff;
	v26 =	vadd.f32 v45, v5  }
0x57: {  	v38 =	vadd.f32 v43, v0;
	v6 =	vmul.f32 v21, v6;
	v33 =	vld [tilespmem:s10+$0x0];
	v15 =	vadd.f32 v15, v34;
	[tilespmem:s0+$0xE000] =	vst v16  }
0x58: {  	v10 =	vmul.f32 v10, v30;
	v16 =	vld [tilespmem:s10+$0x1000];
	v19 =	vadd.f32 v4, v19;
	[tilespmem:s0+$0xE080] =	vst v31;
	v4 =	vmul.f32 v37, v3  }
0x59: {  	v30 =	vmul.f32 v39, v41;
	v31 =	vmul.f32 v26, v42;
	v5 =	vadd.f32 v6, v5;
	[tilespmem:s0+$0xE180] =	vst v35  }
0x5a: {  	v34 =	vadd.f32 v2, v0;
	v10 =	vadd.f32 v10, v11;
	v23 =	vmul.f32 v23, v32  }
0x5b: {  	v11 =	vadd.f32 v40, v0;
	v28 =	vmul.f32 v5, v28;
	v6 =	vld.idx.msk [tilespmem:v17+s16+$0x0], $0xffff;
	v17 =	vadd.f32 v4, v1  }
0x5c: {  	s12 =	sand.u32 $0x7C00, s7;
	v32 =	vld [tilespmem:s5+$0x0];
	v0 =	vand.u32 $0x7F, v33;
	v2 =	vshll.u32 v33, $0x3;
	[tilespmem:s31+$0xE180] =	vst v15;
	v15 =	vmul.f32 v21, v3  }
0x5d: {  	s11 =	sor.u32 s9, s12;
	s10 =	sadd.s32 $0xE000, s12;
	s12 =	sor.u32 s12, s8;
	v5 =	vadd.f32 v30, v38;
	v33 =	vld [tilespmem:s6+$0x0];
	v3 =	vand.u32 $0xFFFFFC00, v2;
	v4 =	vshll.u32 v16, $0x3  }
0x5e: {  	v2 =	vld [tilespmem:s11+$0x2080];
	v30 =	vor.u32 v0, v3;
	v35 =	vand.u32 $0xFFFFFC00, v4;
	v3 =	vadd.f32 v29, v36  }
0x5f: {  	v0 =	vld [tilespmem:s11+$0x2000];
	v29 =	vor.u32 $0x80, v30;
	v26 =	vor.u32 $0x100, v30;
	v36 =	vor.u32 $0x300, v30  }
0x60: {  	v17 =	vadd.f32 v31, v17;
	v37 =	vor.u32 $0x200, v30;
	v21 =	vor.u32 $0x280, v30;
	v4 =	vld [tilespmem:s11+$0x2100];
	[tilespmem:s31+$0xE000] =	vst v3  }
0x61: {  	v16 =	vand.u32 $0x7F, v16;
	v31 =	vor.u32 $0x380, v30;
	v22 =	vmul.f32 v22, v6;
	v3 =	vld [tilespmem:s12+$0x2080];
	[tilespmem:s31+$0xE080] =	vst v5  }
0x62: {  	v18 =	vmul.f32 v27, v18;
	v35 =	vor.u32 v16, v35;
	v16 =	vor.u32 $0x180, v30;
	v6 =	vld [tilespmem:s12+$0x2180]  }
0x63: {  	v38 =	vor.u32 $0x80, v35;
	v27 =	vshll.u32 v32, $0x3;
	v20 =	vadd.f32 v22, v20;
	v5 =	vld [tilespmem:s12+$0x2100]  }
0x64: {  	v23 =	vadd.f32 v23, v24;
	v22 =	vand.u32 $0x7F, v32;
	v27 =	vand.u32 $0xFFFFFC00, v27;
	v39 =	vld [tilespmem:s12+$0x2000]  }
0x65: {  	v18 =	vadd.f32 v18, v34;
	v24 =	vor.u32 $0x100, v35;
	v22 =	vor.u32 v22, v27;
	v40 =	vld.idx.msk [tilespmem:v30+s16+$0x0], $0xffff  }
0x66: {  	v13 =	vmul.f32 v13, v8;
	v27 =	vor.u32 $0x80, v22;
	v34 =	vor.u32 $0x180, v22;
	v30 =	vld [tilespmem:s11+$0x2180];
	[tilespmem:s0+$0xE100] =	vst v17;
	s0 =	smov.u32 s12  }
0x67: {  	v9 =	vmul.f32 v9, v14;
	v8 =	vshll.u32 v33, $0x3;
	v41 =	vor.u32 $0x100, v22;
	s12 =	sor.u32 s29, s2;
	s29 =	smov.u32 s9;
	v32 =	vld.idx.msk [tilespmem:v36+s16+$0x0], $0xffff;
	[tilespmem:s31+$0xE100] =	vst v18;
	s31 =	smov.u32 s11  }
0x68: {  	v15 =	vadd.f32 v15, v1;
	v14 =	vand.u32 $0x7F, v33;
	v8 =	vand.u32 $0xFFFFFC00, v8;
	s9 =	sand.u32 $0x3, s3;
	s3 =	smov.u32 s22;
	v17 =	vld.idx.msk [tilespmem:v35+s16+$0x0], $0xffff;
	[tilespmem:s12+$0x200] =	vst v20  }
0x69: {  	v12 =	vadd.f32 v13, v12;
	v14 =	vor.u32 v14, v8;
	v8 =	vor.u32 $0x200, v35;
	s9 =	sshll.u32 s9, $0x5;
	v18 =	vld.idx.msk [tilespmem:v31+s16+$0x0], $0xffff;
	v1 =	vmovc v39  }
0x6a: {  	v15 =	vadd.f32 v28, v15;
	v13 =	vor.u32 $0x80, v14;
	s11 =	sor.u32 s30, s2;
	v20 =	vor.u32 $0x280, v14;
	s9 =	sadd.s32 s9, s15;
	s15 =	smov.u32 s7;
	v16 =	vld.idx.msk [tilespmem:v16+s16+$0x0], $0xffff  }
0x6b: {  	v28 =	vor.u32 $0x200, v14;
	s30 =	smov.u32 s8;
	s2 =	smov.u32 s10;
	s13 =	sadd.s32 $0x10, s9;
	v31 =	vmul.f32 v40, v3;
	v33 =	vmul.f32 v40, v6;
	v36 =	vld.idx.msk [tilespmem:v37+s16+$0x0], $0xffff;
	[tilespmem:s11+$0x200] =	vst v12  }
0x6c: {  	v7 =	vadd.f32 v9, v7;
	v42 =	vor.u32 $0x380, v35;
	s8 =	sor.u32 $0x300, s13;
	v12 =	vor.u32 $0x180, v14;
	v29 =	vld.idx.msk [tilespmem:v29+s16+$0x0], $0xffff;
	[tilespmem:s11+$0x280] =	vst v15  }
0x6d: {  	v9 =	vor.u32 $0x100, v14;
	v39 =	vor.u32 $0x380, v22;
	v33 =	vadd.f32 v33, v5;
	v15 =	vld.idx.msk [tilespmem:v34+s16+$0x0], $0xffff;
	[tilespmem:s8+$0xE000] =	vst v23  }
0x6e: {  	s10 =	sor.u32 $0x380, s13;
	v31 =	vadd.f32 v31, v1;
	v34 =	vor.u32 $0x180, v35;
	s8 =	sor.u32 $0x300, s9;
	v23 =	vld.idx.msk [tilespmem:v38+s16+$0x0], $0xffff;
	[tilespmem:s12+$0x280] =	vst v7;
	v7 =	vadd.f32 v25, v11  }
0x6f: {  	s9 =	sor.u32 $0x380, s9;
	v11 =	vmul.f32 v33, v17;
	v17 =	vmul.f32 v18, v6;
	v38 =	vld.idx.msk [tilespmem:v22+s16+$0x0], $0xffff;
	[tilespmem:s10+$0xE000] =	vst v10  }
0x70: {  	v25 =	vor.u32 $0x300, v14;
	v33 =	vmul.f32 v16, v3;
	v37 =	vmul.f32 v16, v6;
	v20 =	vld.idx.msk [tilespmem:v20+s16+$0x0], $0xffff;
	[tilespmem:s8+$0xE000] =	vst v7  }
0x71: {  	v16 =	vadd.f32 v11, v31;
	v7 =	vmul.f32 v18, v3;
	v10 =	vadd.f32 v17, v5;
	[tilespmem:s9+$0xE000] =	vst v19  }
0x72: {  	v31 =	vmul.f32 v29, v3;
	v11 =	vmul.f32 v29, v6;
	v29 =	vadd.f32 v37, v5;
	v18 =	vld.idx.msk [tilespmem:v14+s16+$0x0], $0xffff  }
0x73: {  	v17 =	vor.u32 $0x200, v22;
	v40 =	vadd.f32 v33, v1;
	v14 =	vor.u32 $0x380, v14;
	v37 =	vld.idx.msk [tilespmem:v34+s16+$0x0], $0xffff  }
0x74: {  	v44 =	vmul.f32 v36, v6;
	v33 =	vadd.f32 v11, v5;
	v11 =	vadd.f32 v7, v1;
	v43 =	vld.idx.msk [tilespmem:v28+s16+$0x0], $0xffff  }
0x75: {  	v45 =	vor.u32 $0x280, v22;
	v34 =	vor.u32 $0x300, v35;
	v28 =	vor.u32 $0x280, v35;
	v19 =	vld.idx.msk [tilespmem:v25+s16+$0x0], $0xffff  }
0x76: {  	v7 =	vmul.f32 v20, v30;
	v23 =	vmul.f32 v33, v23;
	v46 =	vld.idx.msk [tilespmem:v13+s16+$0x0], $0xffff;
	v13 =	vadd.f32 v31, v1  }
0x77: {  	v25 =	vor.u32 $0x300, v22;
	v20 =	vmul.f32 v20, v2;
	v22 =	vmul.f32 v32, v6;
	v33 =	vld.idx.msk [tilespmem:v9+s16+$0x0], $0xffff  }
0x78: {  	v9 =	vadd.f32 v7, v4;
	v47 =	vld.idx.msk [tilespmem:v12+s16+$0x0], $0xffff;
	v12 =	vmul.f32 v18, v30;
	v31 =	vadd.f32 v23, v13  }
0x79: {  	v7 =	vadd.f32 v20, v0;
	v13 =	vmul.f32 v29, v37;
	v23 =	vadd.f32 v22, v5;
	v48 =	vld.idx.msk [tilespmem:v14+s16+$0x0], $0xffff  }
0x7a: {  	v49 =	vmul.f32 v18, v2;
	v14 =	vmul.f32 v43, v30;
	v12 =	vadd.f32 v12, v4;
	v37 =	vld.idx.msk [tilespmem:v26+s16+$0x0], $0xffff  }
0x7b: {  	v20 =	vmul.f32 v43, v2;
	v35 =	vadd.f32 v13, v40;
	v13 =	vadd.f32 v44, v5;
	v18 =	vld.idx.msk [tilespmem:v41+s16+$0x0], $0xffff  }
0x7c: {  	v36 =	vmul.f32 v36, v3;
	v22 =	vadd.f32 v14, v4;
	v26 =	vld.idx.msk [tilespmem:v39+s16+$0x0], $0xffff;
	v39 =	vmul.f32 v46, v30  }
0x7d: {  	v50 =	vmul.f32 v19, v30;
	v20 =	vadd.f32 v20, v0;
	v29 =	vmul.f32 v12, v38;
	v25 =	vld.idx.msk [tilespmem:v25+s16+$0x0], $0xffff  }
.Ltmp0:
0x7e: {  	v12 =	vadd.f32 v36, v1;
	v38 =	vmul.f32 v47, v30;
	v14 =	vld.idx.msk [tilespmem:v45+s16+$0x0], $0xffff;
	v39 =	vadd.f32 v39, v4;
	(pc) =	sbr.rel @p0 .LBB2_2-.Ltmp0, $4  }
0x7f: {  	v36 =	vadd.f32 v49, v0;
	v45 =	vmul.f32 v33, v30;
	v40 =	vmul.f32 v48, v30;
	v30 =	vld.idx.msk [tilespmem:v42+s16+$0x0], $0xffff  }
0x80: {  	v44 =	vadd.f32 v38, v4;
	v38 =	vmul.f32 v48, v2;
	v48 =	vmul.f32 v32, v3;
	v21 =	vld.idx.msk [tilespmem:v21+s16+$0x0], $0xffff  }
0x81: {  	s5 =	sadd.s32 $0x20, s5;
	v43 =	vmul.f32 v46, v2;
	v32 =	vadd.f32 v50, v4;
	v41 =	vld.idx.msk [tilespmem:v27+s16+$0x0], $0xffff;
	v27 =	vadd.f32 v45, v4  }
0x82: {  	s24 =	sadd.s32 $0x20, s24;
	s6 =	sadd.s32 $0x20, s6;
	s22 =	sadd.s32 $0x1, s22;
	v46 =	vmul.f32 v47, v2;
	v45 =	vmul.f32 v37, v6;
	v42 =	vld.idx.msk [tilespmem:v24+s16+$0x0], $0xffff;
	v24 =	vadd.f32 v48, v1  }
0x83: {  	_ =	sdelay $0x3  }
0x84: {  	v34 =	vld.idx.msk [tilespmem:v34+s16+$0x0], $0xffff  }
0x85: {  	v28 =	vld.idx.msk [tilespmem:v28+s16+$0x0], $0xffff  }
0x86: {  	v15 =	vmul.f32 v44, v15;
	v8 =	vld.idx.msk [tilespmem:v8+s16+$0x0], $0xffff  }
0x87: {  	v33 =	vmul.f32 v33, v2;
	v17 =	vld.idx.msk [tilespmem:v17+s16+$0x0], $0xffff;
	v43 =	vadd.f32 v43, v0;
	v61 =	vadd.f32 v46, v0  }
0x88: {  	[tilespmem:s0+$0xE000] =	vst v16;
	v16 =	vmul.f32 v37, v3;
	v45 =	vadd.f32 v45, v5;
	v6 =	vmul.f32 v21, v6  }
0x89: {  	[tilespmem:s0+$0xE080] =	vst v31;
	v29 =	vadd.f32 v29, v36;
	v15 =	vadd.f32 v15, v61;
	v31 =	vmul.f32 v39, v41  }
0x8a: {  	[tilespmem:s0+$0xE180] =	vst v35;
	v16 =	vadd.f32 v16, v1;
	v5 =	vadd.f32 v6, v5;
	v6 =	vmul.f32 v45, v42  }
0x8b: {  	v18 =	vmul.f32 v27, v18;
	v33 =	vadd.f32 v33, v0;
	[tilespmem:s31+$0xE180] =	vst v15;
	v15 =	vadd.f32 v31, v43  }
0x8c: {  	v3 =	vmul.f32 v21, v3;
	[tilespmem:s31+$0xE000] =	vst v29;
	v6 =	vadd.f32 v6, v16;
	v16 =	vmul.f32 v22, v17  }
0x8d: {  	v8 =	vmul.f32 v13, v8;
	[tilespmem:s31+$0xE080] =	vst v15;
	v15 =	vadd.f32 v18, v33  }
0x8e: {  	s6 =	sand.u32 $0x3, s3;
	v1 =	vadd.f32 v3, v1;
	v5 =	vmul.f32 v5, v28;
	v13 =	vadd.f32 v16, v20;
	[tilespmem:s0+$0xE100] =	vst v6  }
0x8f: {  	s7 =	sor.u32 s29, s2;
	v3 =	vmul.f32 v23, v34;
	s0 =	sshll.u32 s6, $0x5;
	v6 =	vadd.f32 v8, v12;
	[tilespmem:s31+$0xE100] =	vst v15  }
0x90: {  	v2 =	vmul.f32 v19, v2;
	s8 =	sor.u32 s30, s2;
	v8 =	vmul.f32 v9, v14;
	v1 =	vadd.f32 v5, v1;
	s0 =	sadd.s32 s0, s15;
	[tilespmem:s7+$0x200] =	vst v13  }
0x91: {  	v4 =	vadd.f32 v40, v4;
	v3 =	vadd.f32 v3, v24;
	v5 =	vmul.f32 v10, v30;
	[tilespmem:s8+$0x200] =	vst v6;
	s4 =	sadd.s32 $0x10, s0  }
0x92: {  	v2 =	vadd.f32 v2, v0;
	v6 =	vmul.f32 v32, v25;
	v7 =	vadd.f32 v8, v7;
	[tilespmem:s8+$0x280] =	vst v1;
	s9 =	sor.u32 $0x300, s4  }
0x93: {  	v0 =	vadd.f32 v38, v0;
	v1 =	vmul.f32 v4, v26;
	v4 =	vadd.f32 v5, v11;
	[tilespmem:s9+$0xE000] =	vst v3  }
0x94: {  	s10 =	sor.u32 $0x380, s4;
	[tilespmem:s7+$0x280] =	vst v7;
	v2 =	vadd.f32 v6, v2  }
0x95: {  	s11 =	sor.u32 $0x300, s0;
	v0 =	vadd.f32 v1, v0;
	[tilespmem:s10+$0xE000] =	vst v4  }
0x96: {  	s0 =	sor.u32 $0x380, s0;
	[tilespmem:s11+$0xE000] =	vst v2  }
0x97: {  	[tilespmem:s0+$0xE000] =	vst v0  }
0x98: {  	s2 =	simm.s32 $0x0;
	s12 =	simm.s32 $0xE000;
	s0 =	rddreg [dreg:$0x9]  }
0x99: {  	[hbm4b:s0+s2] =	stream.linear.scatter [tilespmem:s12], [sflag:$0x6], $0x8000, $0x38;
	[tilespmem:$0x1E000] =	vst v63  }
0x9a: {  	s29 =	sand.u32 $0x60, s2;
	_ =	swait.ge [sflag:s23], $0x2000  }
0x9b: {  	s30 =	sor.u32 $0x10, s29;
	s15 =	sand.u32 $0xF80, s2;
	[sflag:s23] =	ssyncset.done $0x0  }
0x9c: {  	s0 =	sor.u32 s15, s30;
	s13 =	rddreg [dreg:$0xa];
	[sflag:s23] =	ssyncadd.s32 $0xFFFFE000  }
0x9d: {  	[tilespmem:s16], [sflag:$0x4] =	stream.linear.gather [hbm4b:s13+s2], $0x2000, $0x38;
	[tilespmem:$0x1E000] =	vst v63  }
0x9e: {  	v0 =	vld [tilespmem:s0+$0x0]  }
0x9f: {  	v1 =	vld [tilespmem:s0+$0x1000]  }
0xa0: {  	s22 =	simm.s32 $0x1000  }
0xa1: {  	s24 =	sand.u32 $0x7C00, s2;
	v7 =	vld [tilespmem:s22+$0x0]  }
0xa2: {  	s31 =	sor.u32 s29, s24;
	v8 =	vld [tilespmem:s2+$0x0]  }
0xa3: {  	v2 =	vld [tilespmem:s31+$0x2080];
	v3 =	vshll.u32 v0, $0x3  }
0xa4: {  	s0 =	sor.u32 s24, s30;
	v24 =	vld [tilespmem:s31+$0x2180];
	v4 =	vand.u32 $0x7F, v0;
	v5 =	vshll.u32 v1, $0x3;
	v3 =	vand.u32 $0xFFFFFC00, v3  }
0xa5: {  	v6 =	vld [tilespmem:s0+$0x2180];
	v1 =	vand.u32 $0x7F, v1;
	v5 =	vand.u32 $0xFFFFFC00, v5;
	v9 =	vor.u32 v4, v3  }
0xa6: {  	v0 =	vld [tilespmem:s31+$0x2000];
	v12 =	vor.u32 v1, v5  }
0xa7: {  	v3 =	vld [tilespmem:s0+$0x2080];
	v10 =	vor.u32 $0x300, v9  }
0xa8: {  	v17 =	vshll.u32 v7, $0x3;
	v7 =	vand.u32 $0x7F, v7;
	v5 =	vld [tilespmem:s0+$0x2100];
	v15 =	vor.u32 $0x380, v9  }
0xa9: {  	v17 =	vand.u32 $0xFFFFFC00, v17;
	v1 =	vld [tilespmem:s0+$0x2000];
	v11 =	vor.u32 $0x80, v9;
	v16 =	vor.u32 $0x180, v9  }
0xaa: {  	v13 =	vor.u32 $0x100, v9;
	v14 =	vor.u32 $0x200, v9;
	v21 =	vor.u32 $0x280, v9;
	v9 =	vld.idx.msk [tilespmem:v9+s21+$0x0], $0xffff  }
0xab: {  	v7 =	vor.u32 v7, v17;
	v17 =	vshll.u32 v8, $0x3;
	v19 =	vld.idx.msk [tilespmem:v12+s21+$0x0], $0xffff  }
0xac: {  	v8 =	vand.u32 $0x7F, v8;
	v18 =	vor.u32 $0x80, v12;
	v17 =	vand.u32 $0xFFFFFC00, v17;
	v27 =	vld.idx.msk [tilespmem:v10+s21+$0x0], $0xffff  }
0xad: {  	v22 =	vor.u32 v8, v17;
	v17 =	vld.idx.msk [tilespmem:v15+s21+$0x0], $0xffff  }
0xae: {  	v42 =	vor.u32 $0x100, v12;
	v16 =	vld.idx.msk [tilespmem:v16+s21+$0x0], $0xffff  }
0xaf: {  	v32 =	vor.u32 $0x80, v7;
	v20 =	vor.u32 $0x100, v7;
	v31 =	vor.u32 $0x180, v12;
	v11 =	vld.idx.msk [tilespmem:v11+s21+$0x0], $0xffff  }
0xb0: {  	v38 =	vor.u32 $0x380, v12;
	v62 =	vor.u32 $0x380, v7;
	v23 =	vor.u32 $0x80, v22;
	v14 =	vld.idx.msk [tilespmem:v14+s21+$0x0], $0xffff  }
0xb1: {  	v58 =	vor.u32 $0x280, v7;
	v34 =	vor.u32 $0x300, v12;
	v30 =	vor.u32 $0x100, v22;
	v18 =	vld.idx.msk [tilespmem:v18+s21+$0x0], $0xffff  }
0xb2: {  	v8 =	vor.u32 $0x200, v12;
	v25 =	vor.u32 $0x280, v22;
	v37 =	vld.idx.msk [tilespmem:v13+s21+$0x0], $0xffff;
	v15 =	vmul.f32 v9, v6  }
0xb3: {  	v28 =	vor.u32 $0x180, v22;
	v52 =	vld.idx.msk [tilespmem:v22+s21+$0x0], $0xffff;
	v9 =	vmul.f32 v9, v3;
	v50 =	vmul.f32 v16, v3  }
0xb4: {  	v10 =	vor.u32 $0x180, v7;
	v55 =	vld.idx.msk [tilespmem:v31+s21+$0x0], $0xffff;
	v51 =	vmul.f32 v16, v6;
	v53 =	vmul.f32 v11, v3  }
0xb5: {  	v26 =	vor.u32 $0x200, v22;
	v59 =	vld.idx.msk [tilespmem:v23+s21+$0x0], $0xffff;
	v11 =	vmul.f32 v11, v6;
	v57 =	vmul.f32 v14, v6  }
0xb6: {  	v33 =	vld.idx.msk [tilespmem:v30+s21+$0x0], $0xffff;
	v30 =	vor.u32 $0x300, v7;
	v23 =	vmul.f32 v27, v6;
	v61 =	vmul.f32 v14, v3  }
0xb7: {  	v25 =	vld.idx.msk [tilespmem:v25+s21+$0x0], $0xffff;
	v45 =	vmul.f32 v37, v6;
	v29 =	vadd.f32 v15, v5;
	v9 =	vadd.f32 v9, v1  }
0xb8: {  	v47 =	vld.idx.msk [tilespmem:v28+s21+$0x0], $0xffff;
	v28 =	vmul.f32 v52, v2;
	v54 =	vadd.f32 v51, v5;
	v56 =	vadd.f32 v50, v1  }
0xb9: {  	v15 =	vld.idx.msk [tilespmem:v10+s21+$0x0], $0xffff;
	v31 =	vadd.f32 v11, v5;
	v10 =	vmul.f32 v29, v19;
	v29 =	vor.u32 $0x300, v22  }
0xba: {  	v4 =	vld [tilespmem:s31+$0x2100];
	v23 =	vadd.f32 v23, v5;
	v13 =	vadd.f32 v57, v5;
	v22 =	vor.u32 $0x380, v22  }
0xbb: {  	v26 =	vld.idx.msk [tilespmem:v26+s21+$0x0], $0xffff;
	v43 =	vmul.f32 v59, v2;
	v19 =	vmul.f32 v17, v6;
	v36 =	vadd.f32 v28, v0  }
0xbc: {  	v18 =	vmul.f32 v31, v18;
	v16 =	vadd.f32 v10, v9;
	v9 =	vmul.f32 v17, v3  }
0xbd: {  	v63 =	vld.idx.msk [tilespmem:v7+s21+$0x0], $0xffff;
	v10 =	vadd.f32 v19, v5;
	v17 =	vor.u32 $0x200, v7;
	v7 =	vmul.f32 v25, v2  }
0xbe: {  	v11 =	vadd.f32 v9, v1;
	v9 =	vmul.f32 v25, v24;
	v25 =	vmul.f32 v52, v24;
	v19 =	vld.idx.msk [tilespmem:v29+s21+$0x0], $0xffff  }
0xbf: {  	v7 =	vadd.f32 v7, v0;
	v29 =	vor.u32 $0x280, v12;
	v12 =	vadd.f32 v53, v1;
	v48 =	vld.idx.msk [tilespmem:v22+s21+$0x0], $0xffff  }
0xc0: {  	v22 =	vmul.f32 v26, v24;
	v9 =	vadd.f32 v9, v4;
	v60 =	vadd.f32 v25, v4;
	v25 =	vld.idx.msk [tilespmem:v30+s21+$0x0], $0xffff  }
0xc1: {  	v31 =	vadd.f32 v18, v12;
	v12 =	vmul.f32 v54, v55;
	v18 =	vld.idx.msk [tilespmem:v20+s21+$0x0], $0xffff;
	v20 =	vmul.f32 v26, v2  }
0xc2: {  	v26 =	vld.idx.msk [tilespmem:v62+s21+$0x0], $0xffff;
	v22 =	vadd.f32 v22, v4;
	v62 =	vmul.f32 v47, v24;
	v30 =	vmul.f32 v60, v63  }
0xc3: {  	v21 =	vld.idx.msk [tilespmem:v21+s21+$0x0], $0xffff;
	v63 =	vmul.f32 v33, v24;
	v35 =	vadd.f32 v12, v56;
	v12 =	vmul.f32 v59, v24  }
0xc4: {  	v41 =	vld.idx.msk [tilespmem:v32+s21+$0x0], $0xffff;
	v20 =	vadd.f32 v20, v0;
	v44 =	vadd.f32 v62, v4;
	v49 =	vmul.f32 v19, v24  }
0xc5: {  	s5 =	simm.s32 $0x0;
	s3 =	simm.s32 $0x0;
	v42 =	vld.idx.msk [tilespmem:v42+s21+$0x0], $0xffff;
	v40 =	vmul.f32 v48, v24;
	v24 =	vmul.f32 v27, v3;
	v27 =	vadd.f32 v63, v4  }
0xc6: {  	s6 =	simm.s32 $0x20;
	s4 =	simm.s32 $0x0;
	s7 =	simm.s32 $0x20;
	v14 =	vld.idx.msk [tilespmem:v58+s21+$0x0], $0xffff;
	v46 =	vmul.f32 v47, v2;
	v39 =	vadd.f32 v12, v4;
	v32 =	vadd.f32 v49, v4  }
0xc7: {  	s15 =	sadd.s32 $0x16000, s24;
	s22 =	simm.s32 $0x1020;
	s24 =	simm.s32 $0x1;
	v28 =	vld.idx.msk [tilespmem:v38+s21+$0x0], $0xffff;
	v38 =	vmul.f32 v48, v2;
	v12 =	vadd.f32 v61, v1;
	v24 =	vadd.f32 v24, v1  }
.LBB2_4:
0xc8: {  	s9 =	sand.u32 $0x60, s6;
	s5 =	sadd.s32 $0x2, s5;
	v15 =	vmul.f32 v44, v15;
	v25 =	vmul.f32 v32, v25;
	v4 =	vadd.f32 v40, v4;
	v32 =	vld.idx.msk [tilespmem:v34+s21+$0x0], $0xffff;
	s2 =	sadd.s32 $0x100, s2  }
0xc9: {  	s10 =	sand.u32 $0xF80, s6;
	v40 =	vmul.f32 v19, v2;
	v19 =	vadd.f32 v38, v0;
	s8 =	sor.u32 $0x10, s9;
	p0 =	slt.u32 s5, $0xFE;
	v34 =	vadd.f32 v46, v0;
	v29 =	vld.idx.msk [tilespmem:v29+s21+$0x0], $0xffff  }
0xca: {  	v2 =	vmul.f32 v33, v2;
	s10 =	sor.u32 s10, s8;
	v4 =	vmul.f32 v4, v26;
	v8 =	vld.idx.msk [tilespmem:v8+s21+$0x0], $0xffff;
	v26 =	vadd.f32 v45, v5  }
0xcb: {  	v38 =	vadd.f32 v43, v0;
	v6 =	vmul.f32 v21, v6;
	v33 =	vld [tilespmem:s10+$0x0];
	v15 =	vadd.f32 v15, v34;
	[tilespmem:s0+$0x16000] =	vst v16  }
0xcc: {  	v10 =	vmul.f32 v10, v28;
	v16 =	vld [tilespmem:s10+$0x1000];
	v19 =	vadd.f32 v4, v19;
	[tilespmem:s0+$0x16080] =	vst v31;
	v4 =	vmul.f32 v37, v3  }
0xcd: {  	v28 =	vmul.f32 v39, v41;
	v31 =	vmul.f32 v26, v42;
	v5 =	vadd.f32 v6, v5;
	[tilespmem:s0+$0x16180] =	vst v35  }
0xce: {  	v34 =	vadd.f32 v2, v0;
	v10 =	vadd.f32 v10, v11;
	v23 =	vmul.f32 v23, v32  }
0xcf: {  	v11 =	vadd.f32 v40, v0;
	v29 =	vmul.f32 v5, v29;
	v6 =	vld.idx.msk [tilespmem:v17+s21+$0x0], $0xffff;
	v17 =	vadd.f32 v4, v1  }
0xd0: {  	s12 =	sand.u32 $0x7C00, s2;
	v32 =	vld [tilespmem:s22+$0x0];
	v0 =	vand.u32 $0x7F, v33;
	v2 =	vshll.u32 v33, $0x3;
	[tilespmem:s31+$0x16180] =	vst v15;
	v15 =	vmul.f32 v21, v3  }
0xd1: {  	s11 =	sor.u32 s9, s12;
	s10 =	sadd.s32 $0x16000, s12;
	s12 =	sor.u32 s12, s8;
	v5 =	vadd.f32 v28, v38;
	v33 =	vld [tilespmem:s7+$0x0];
	v3 =	vand.u32 $0xFFFFFC00, v2;
	v4 =	vshll.u32 v16, $0x3  }
0xd2: {  	v2 =	vld [tilespmem:s11+$0x2080];
	v28 =	vor.u32 v0, v3;
	v35 =	vand.u32 $0xFFFFFC00, v4;
	v3 =	vadd.f32 v30, v36  }
0xd3: {  	v0 =	vld [tilespmem:s11+$0x2000];
	v30 =	vor.u32 $0x80, v28;
	v26 =	vor.u32 $0x100, v28;
	v36 =	vor.u32 $0x300, v28  }
0xd4: {  	v17 =	vadd.f32 v31, v17;
	v37 =	vor.u32 $0x200, v28;
	v21 =	vor.u32 $0x280, v28;
	v4 =	vld [tilespmem:s11+$0x2100];
	[tilespmem:s31+$0x16000] =	vst v3  }
0xd5: {  	v16 =	vand.u32 $0x7F, v16;
	v31 =	vor.u32 $0x380, v28;
	v22 =	vmul.f32 v22, v6;
	v3 =	vld [tilespmem:s12+$0x2080];
	[tilespmem:s31+$0x16080] =	vst v5  }
0xd6: {  	v18 =	vmul.f32 v27, v18;
	v35 =	vor.u32 v16, v35;
	v16 =	vor.u32 $0x180, v28;
	v6 =	vld [tilespmem:s12+$0x2180]  }
0xd7: {  	v38 =	vor.u32 $0x80, v35;
	v27 =	vshll.u32 v32, $0x3;
	v20 =	vadd.f32 v22, v20;
	v5 =	vld [tilespmem:s12+$0x2100]  }
0xd8: {  	v23 =	vadd.f32 v23, v24;
	v22 =	vand.u32 $0x7F, v32;
	v27 =	vand.u32 $0xFFFFFC00, v27;
	v39 =	vld [tilespmem:s12+$0x2000]  }
0xd9: {  	v18 =	vadd.f32 v18, v34;
	v24 =	vor.u32 $0x100, v35;
	v22 =	vor.u32 v22, v27;
	v40 =	vld.idx.msk [tilespmem:v28+s21+$0x0], $0xffff  }
0xda: {  	v13 =	vmul.f32 v13, v8;
	v27 =	vor.u32 $0x80, v22;
	v34 =	vor.u32 $0x180, v22;
	v28 =	vld [tilespmem:s11+$0x2180];
	[tilespmem:s0+$0x16100] =	vst v17;
	s0 =	smov.u32 s12  }
0xdb: {  	v9 =	vmul.f32 v9, v14;
	v8 =	vshll.u32 v33, $0x3;
	v41 =	vor.u32 $0x100, v22;
	s12 =	sor.u32 s29, s15;
	s29 =	smov.u32 s9;
	v32 =	vld.idx.msk [tilespmem:v36+s21+$0x0], $0xffff;
	[tilespmem:s31+$0x16100] =	vst v18;
	s31 =	smov.u32 s11  }
0xdc: {  	v15 =	vadd.f32 v15, v1;
	v14 =	vand.u32 $0x7F, v33;
	v8 =	vand.u32 $0xFFFFFC00, v8;
	s9 =	sand.u32 $0x3, s4;
	s4 =	smov.u32 s24;
	v17 =	vld.idx.msk [tilespmem:v35+s21+$0x0], $0xffff;
	[tilespmem:s12+$0x200] =	vst v20  }
0xdd: {  	v12 =	vadd.f32 v13, v12;
	v14 =	vor.u32 v14, v8;
	v8 =	vor.u32 $0x200, v35;
	s9 =	sshll.u32 s9, $0x5;
	v18 =	vld.idx.msk [tilespmem:v31+s21+$0x0], $0xffff;
	v1 =	vmovc v39  }
0xde: {  	v15 =	vadd.f32 v29, v15;
	v13 =	vor.u32 $0x80, v14;
	s11 =	sor.u32 s30, s15;
	v20 =	vor.u32 $0x280, v14;
	s9 =	sadd.s32 s9, s3;
	s3 =	smov.u32 s2;
	v16 =	vld.idx.msk [tilespmem:v16+s21+$0x0], $0xffff  }
0xdf: {  	v29 =	vor.u32 $0x200, v14;
	s30 =	smov.u32 s8;
	s15 =	smov.u32 s10;
	s13 =	sadd.s32 $0x10, s9;
	v31 =	vmul.f32 v40, v3;
	v33 =	vmul.f32 v40, v6;
	v36 =	vld.idx.msk [tilespmem:v37+s21+$0x0], $0xffff;
	[tilespmem:s11+$0x200] =	vst v12  }
0xe0: {  	v7 =	vadd.f32 v9, v7;
	v42 =	vor.u32 $0x380, v35;
	s8 =	sor.u32 $0x300, s13;
	v12 =	vor.u32 $0x180, v14;
	v30 =	vld.idx.msk [tilespmem:v30+s21+$0x0], $0xffff;
	[tilespmem:s11+$0x280] =	vst v15  }
0xe1: {  	v9 =	vor.u32 $0x100, v14;
	v39 =	vor.u32 $0x380, v22;
	v33 =	vadd.f32 v33, v5;
	v15 =	vld.idx.msk [tilespmem:v34+s21+$0x0], $0xffff;
	[tilespmem:s8+$0x16000] =	vst v23  }
0xe2: {  	s10 =	sor.u32 $0x380, s13;
	v31 =	vadd.f32 v31, v1;
	v34 =	vor.u32 $0x180, v35;
	s8 =	sor.u32 $0x300, s9;
	v23 =	vld.idx.msk [tilespmem:v38+s21+$0x0], $0xffff;
	[tilespmem:s12+$0x280] =	vst v7;
	v7 =	vadd.f32 v25, v11  }
0xe3: {  	s9 =	sor.u32 $0x380, s9;
	v11 =	vmul.f32 v33, v17;
	v17 =	vmul.f32 v18, v6;
	v38 =	vld.idx.msk [tilespmem:v22+s21+$0x0], $0xffff;
	[tilespmem:s10+$0x16000] =	vst v10  }
0xe4: {  	v25 =	vor.u32 $0x300, v14;
	v33 =	vmul.f32 v16, v3;
	v37 =	vmul.f32 v16, v6;
	v20 =	vld.idx.msk [tilespmem:v20+s21+$0x0], $0xffff;
	[tilespmem:s8+$0x16000] =	vst v7  }
0xe5: {  	v16 =	vadd.f32 v11, v31;
	v7 =	vmul.f32 v18, v3;
	v10 =	vadd.f32 v17, v5;
	[tilespmem:s9+$0x16000] =	vst v19  }
0xe6: {  	v31 =	vmul.f32 v30, v3;
	v11 =	vmul.f32 v30, v6;
	v30 =	vadd.f32 v37, v5;
	v18 =	vld.idx.msk [tilespmem:v14+s21+$0x0], $0xffff  }
0xe7: {  	v17 =	vor.u32 $0x200, v22;
	v40 =	vadd.f32 v33, v1;
	v14 =	vor.u32 $0x380, v14;
	v37 =	vld.idx.msk [tilespmem:v34+s21+$0x0], $0xffff  }
0xe8: {  	v44 =	vmul.f32 v36, v6;
	v33 =	vadd.f32 v11, v5;
	v11 =	vadd.f32 v7, v1;
	v43 =	vld.idx.msk [tilespmem:v29+s21+$0x0], $0xffff  }
0xe9: {  	v45 =	vor.u32 $0x280, v22;
	v34 =	vor.u32 $0x300, v35;
	v29 =	vor.u32 $0x280, v35;
	v19 =	vld.idx.msk [tilespmem:v25+s21+$0x0], $0xffff  }
0xea: {  	v7 =	vmul.f32 v20, v28;
	v23 =	vmul.f32 v33, v23;
	v46 =	vld.idx.msk [tilespmem:v13+s21+$0x0], $0xffff;
	v13 =	vadd.f32 v31, v1  }
0xeb: {  	v25 =	vor.u32 $0x300, v22;
	v20 =	vmul.f32 v20, v2;
	v22 =	vmul.f32 v32, v6;
	v33 =	vld.idx.msk [tilespmem:v9+s21+$0x0], $0xffff  }
0xec: {  	v9 =	vadd.f32 v7, v4;
	v47 =	vld.idx.msk [tilespmem:v12+s21+$0x0], $0xffff;
	v12 =	vmul.f32 v18, v28;
	v31 =	vadd.f32 v23, v13  }
0xed: {  	v7 =	vadd.f32 v20, v0;
	v13 =	vmul.f32 v30, v37;
	v23 =	vadd.f32 v22, v5;
	v48 =	vld.idx.msk [tilespmem:v14+s21+$0x0], $0xffff  }
0xee: {  	v49 =	vmul.f32 v18, v2;
	v14 =	vmul.f32 v43, v28;
	v12 =	vadd.f32 v12, v4;
	v37 =	vld.idx.msk [tilespmem:v26+s21+$0x0], $0xffff  }
0xef: {  	v20 =	vmul.f32 v43, v2;
	v35 =	vadd.f32 v13, v40;
	v13 =	vadd.f32 v44, v5;
	v18 =	vld.idx.msk [tilespmem:v41+s21+$0x0], $0xffff  }
0xf0: {  	v36 =	vmul.f32 v36, v3;
	v22 =	vadd.f32 v14, v4;
	v26 =	vld.idx.msk [tilespmem:v39+s21+$0x0], $0xffff;
	v39 =	vmul.f32 v46, v28  }
0xf1: {  	v50 =	vmul.f32 v19, v28;
	v20 =	vadd.f32 v20, v0;
	v30 =	vmul.f32 v12, v38;
	v25 =	vld.idx.msk [tilespmem:v25+s21+$0x0], $0xffff  }
.Ltmp1:
0xf2: {  	v12 =	vadd.f32 v36, v1;
	v38 =	vmul.f32 v47, v28;
	v14 =	vld.idx.msk [tilespmem:v45+s21+$0x0], $0xffff;
	v39 =	vadd.f32 v39, v4;
	(pc) =	sbr.rel @p0 .LBB2_4-.Ltmp1, $4  }
0xf3: {  	v36 =	vadd.f32 v49, v0;
	v45 =	vmul.f32 v33, v28;
	v40 =	vmul.f32 v48, v28;
	v28 =	vld.idx.msk [tilespmem:v42+s21+$0x0], $0xffff  }
0xf4: {  	v44 =	vadd.f32 v38, v4;
	v38 =	vmul.f32 v48, v2;
	v48 =	vmul.f32 v32, v3;
	v21 =	vld.idx.msk [tilespmem:v21+s21+$0x0], $0xffff  }
0xf5: {  	s22 =	sadd.s32 $0x20, s22;
	v43 =	vmul.f32 v46, v2;
	v32 =	vadd.f32 v50, v4;
	v41 =	vld.idx.msk [tilespmem:v27+s21+$0x0], $0xffff;
	v27 =	vadd.f32 v45, v4  }
0xf6: {  	s6 =	sadd.s32 $0x20, s6;
	s7 =	sadd.s32 $0x20, s7;
	s24 =	sadd.s32 $0x1, s24;
	v46 =	vmul.f32 v47, v2;
	v45 =	vmul.f32 v37, v6;
	v42 =	vld.idx.msk [tilespmem:v24+s21+$0x0], $0xffff;
	v24 =	vadd.f32 v48, v1  }
0xf7: {  	_ =	sdelay $0x3  }
0xf8: {  	v34 =	vld.idx.msk [tilespmem:v34+s21+$0x0], $0xffff  }
0xf9: {  	v29 =	vld.idx.msk [tilespmem:v29+s21+$0x0], $0xffff  }
0xfa: {  	v15 =	vmul.f32 v44, v15;
	v8 =	vld.idx.msk [tilespmem:v8+s21+$0x0], $0xffff  }
0xfb: {  	v33 =	vmul.f32 v33, v2;
	v17 =	vld.idx.msk [tilespmem:v17+s21+$0x0], $0xffff;
	v43 =	vadd.f32 v43, v0;
	v61 =	vadd.f32 v46, v0  }
0xfc: {  	[tilespmem:s0+$0x16000] =	vst v16;
	v16 =	vmul.f32 v37, v3;
	v45 =	vadd.f32 v45, v5;
	v6 =	vmul.f32 v21, v6  }
0xfd: {  	[tilespmem:s0+$0x16080] =	vst v31;
	v30 =	vadd.f32 v30, v36;
	v15 =	vadd.f32 v15, v61;
	v31 =	vmul.f32 v39, v41  }
0xfe: {  	[tilespmem:s0+$0x16180] =	vst v35;
	v16 =	vadd.f32 v16, v1;
	v5 =	vadd.f32 v6, v5;
	v6 =	vmul.f32 v45, v42  }
0xff: {  	v18 =	vmul.f32 v27, v18;
	v33 =	vadd.f32 v33, v0;
	[tilespmem:s31+$0x16180] =	vst v15;
	v15 =	vadd.f32 v31, v43  }
0x100: {  	v3 =	vmul.f32 v21, v3;
	[tilespmem:s31+$0x16000] =	vst v30;
	v6 =	vadd.f32 v6, v16;
	v16 =	vmul.f32 v22, v17  }
0x101: {  	v8 =	vmul.f32 v13, v8;
	[tilespmem:s31+$0x16080] =	vst v15;
	v15 =	vadd.f32 v18, v33  }
0x102: {  	s6 =	sand.u32 $0x3, s4;
	v1 =	vadd.f32 v3, v1;
	v5 =	vmul.f32 v5, v29;
	v13 =	vadd.f32 v16, v20;
	[tilespmem:s0+$0x16100] =	vst v6  }
0x103: {  	s2 =	sor.u32 s29, s15;
	v3 =	vmul.f32 v23, v34;
	s0 =	sshll.u32 s6, $0x5;
	v6 =	vadd.f32 v8, v12;
	[tilespmem:s31+$0x16100] =	vst v15  }
0x104: {  	v2 =	vmul.f32 v19, v2;
	s7 =	sor.u32 s30, s15;
	v8 =	vmul.f32 v9, v14;
	v1 =	vadd.f32 v5, v1;
	s0 =	sadd.s32 s0, s3;
	[tilespmem:s2+$0x200] =	vst v13  }
0x105: {  	v4 =	vadd.f32 v40, v4;
	v3 =	vadd.f32 v3, v24;
	v5 =	vmul.f32 v10, v28;
	[tilespmem:s7+$0x200] =	vst v6;
	s8 =	sadd.s32 $0x10, s0  }
0x106: {  	v2 =	vadd.f32 v2, v0;
	v6 =	vmul.f32 v32, v25;
	v7 =	vadd.f32 v8, v7;
	[tilespmem:s7+$0x280] =	vst v1;
	s9 =	sor.u32 $0x300, s8  }
0x107: {  	v0 =	vadd.f32 v38, v0;
	v1 =	vmul.f32 v4, v26;
	v4 =	vadd.f32 v5, v11;
	[tilespmem:s9+$0x16000] =	vst v3  }
0x108: {  	s10 =	sor.u32 $0x380, s8;
	[tilespmem:s2+$0x280] =	vst v7;
	v2 =	vadd.f32 v6, v2  }
0x109: {  	s11 =	sor.u32 $0x300, s0;
	v0 =	vadd.f32 v1, v0;
	[tilespmem:s10+$0x16000] =	vst v4  }
0x10a: {  	s0 =	sor.u32 $0x380, s0;
	[tilespmem:s11+$0x16000] =	vst v2  }
0x10b: {  	[tilespmem:s0+$0x16000] =	vst v0  }
0x10c: {  	s12 =	simm.s32 $0x16000;
	s2 =	simm.s32 $0x0;
	s0 =	rddreg [dreg:$0xb]  }
0x10d: {  	[hbm4b:s0+s2] =	stream.linear.scatter [tilespmem:s12], [sflag:$0x7], $0x8000, $0x38;
	[tilespmem:$0x1E000] =	vst v63  }
0x10e: {  	_ =	swait.ge [sflag:s20], $0x2000  }
0x10f: {  	[sflag:s20] =	ssyncset.done $0x0  }
0x110: {  	s13 =	rddreg [dreg:$0xc];
	[sflag:s20] =	ssyncadd.s32 $0xFFFFE000  }
0x111: {  	[tilespmem:s21], [sflag:$0x5] =	stream.linear.gather [hbm4b:s13+s2], $0x2000, $0x38;
	[tilespmem:$0x1E000] =	vst v63  }
0x112: {  	s29 =	sand.u32 $0x60, s2;
	_ =	swait.ge [sflag:s25], $0x8000  }
0x113: {  	s15 =	sand.u32 $0xF80, s2;
	s30 =	sor.u32 $0x10, s29;
	[sflag:s25] =	ssyncset.done $0x0  }
0x114: {  	s0 =	sor.u32 s15, s30;
	[sflag:s25] =	ssyncadd.s32 $0xFFFF8000  }
0x115: {  	v0 =	vld [tilespmem:s0+$0x0]  }
0x116: {  	v1 =	vld [tilespmem:s0+$0x1000]  }
0x117: {  	s22 =	simm.s32 $0x1000  }
0x118: {  	s24 =	sand.u32 $0x7C00, s2;
	v7 =	vld [tilespmem:s22+$0x0]  }
0x119: {  	s31 =	sor.u32 s29, s24;
	v8 =	vld [tilespmem:s2+$0x0]  }
0x11a: {  	v2 =	vld [tilespmem:s31+$0x2080];
	v3 =	vshll.u32 v0, $0x3  }
0x11b: {  	s0 =	sor.u32 s24, s30;
	v24 =	vld [tilespmem:s31+$0x2180];
	v4 =	vand.u32 $0x7F, v0;
	v5 =	vshll.u32 v1, $0x3;
	v3 =	vand.u32 $0xFFFFFC00, v3  }
0x11c: {  	v6 =	vld [tilespmem:s0+$0x2180];
	v1 =	vand.u32 $0x7F, v1;
	v5 =	vand.u32 $0xFFFFFC00, v5;
	v9 =	vor.u32 v4, v3  }
0x11d: {  	v0 =	vld [tilespmem:s31+$0x2000];
	v12 =	vor.u32 v1, v5  }
0x11e: {  	v3 =	vld [tilespmem:s0+$0x2080];
	v10 =	vor.u32 $0x300, v9  }
0x11f: {  	v17 =	vshll.u32 v7, $0x3;
	v7 =	vand.u32 $0x7F, v7;
	v5 =	vld [tilespmem:s0+$0x2100];
	v15 =	vor.u32 $0x380, v9  }
0x120: {  	v17 =	vand.u32 $0xFFFFFC00, v17;
	v1 =	vld [tilespmem:s0+$0x2000];
	v11 =	vor.u32 $0x80, v9;
	v16 =	vor.u32 $0x180, v9  }
0x121: {  	v13 =	vor.u32 $0x100, v9;
	v14 =	vor.u32 $0x200, v9;
	v21 =	vor.u32 $0x280, v9;
	v9 =	vld.idx.msk [tilespmem:v9+s16+$0x0], $0xffff  }
0x122: {  	v7 =	vor.u32 v7, v17;
	v17 =	vshll.u32 v8, $0x3;
	v19 =	vld.idx.msk [tilespmem:v12+s16+$0x0], $0xffff  }
0x123: {  	v8 =	vand.u32 $0x7F, v8;
	v18 =	vor.u32 $0x80, v12;
	v17 =	vand.u32 $0xFFFFFC00, v17;
	v27 =	vld.idx.msk [tilespmem:v10+s16+$0x0], $0xffff  }
0x124: {  	v22 =	vor.u32 v8, v17;
	v17 =	vld.idx.msk [tilespmem:v15+s16+$0x0], $0xffff  }
0x125: {  	v42 =	vor.u32 $0x100, v12;
	v16 =	vld.idx.msk [tilespmem:v16+s16+$0x0], $0xffff  }
0x126: {  	v32 =	vor.u32 $0x80, v7;
	v20 =	vor.u32 $0x100, v7;
	v31 =	vor.u32 $0x180, v12;
	v11 =	vld.idx.msk [tilespmem:v11+s16+$0x0], $0xffff  }
0x127: {  	v38 =	vor.u32 $0x380, v12;
	v62 =	vor.u32 $0x380, v7;
	v23 =	vor.u32 $0x80, v22;
	v14 =	vld.idx.msk [tilespmem:v14+s16+$0x0], $0xffff  }
0x128: {  	v58 =	vor.u32 $0x280, v7;
	v34 =	vor.u32 $0x300, v12;
	v30 =	vor.u32 $0x100, v22;
	v18 =	vld.idx.msk [tilespmem:v18+s16+$0x0], $0xffff  }
0x129: {  	v8 =	vor.u32 $0x200, v12;
	v25 =	vor.u32 $0x280, v22;
	v37 =	vld.idx.msk [tilespmem:v13+s16+$0x0], $0xffff;
	v15 =	vmul.f32 v9, v6  }
0x12a: {  	v28 =	vor.u32 $0x180, v22;
	v52 =	vld.idx.msk [tilespmem:v22+s16+$0x0], $0xffff;
	v9 =	vmul.f32 v9, v3;
	v50 =	vmul.f32 v16, v3  }
0x12b: {  	v10 =	vor.u32 $0x180, v7;
	v55 =	vld.idx.msk [tilespmem:v31+s16+$0x0], $0xffff;
	v51 =	vmul.f32 v16, v6;
	v53 =	vmul.f32 v11, v3  }
0x12c: {  	v26 =	vor.u32 $0x200, v22;
	v59 =	vld.idx.msk [tilespmem:v23+s16+$0x0], $0xffff;
	v11 =	vmul.f32 v11, v6;
	v57 =	vmul.f32 v14, v6  }
0x12d: {  	v33 =	vld.idx.msk [tilespmem:v30+s16+$0x0], $0xffff;
	v30 =	vor.u32 $0x300, v7;
	v23 =	vmul.f32 v27, v6;
	v61 =	vmul.f32 v14, v3  }
0x12e: {  	v25 =	vld.idx.msk [tilespmem:v25+s16+$0x0], $0xffff;
	v45 =	vmul.f32 v37, v6;
	v29 =	vadd.f32 v15, v5;
	v9 =	vadd.f32 v9, v1  }
0x12f: {  	v47 =	vld.idx.msk [tilespmem:v28+s16+$0x0], $0xffff;
	v28 =	vmul.f32 v52, v2;
	v54 =	vadd.f32 v51, v5;
	v56 =	vadd.f32 v50, v1  }
0x130: {  	v15 =	vld.idx.msk [tilespmem:v10+s16+$0x0], $0xffff;
	v31 =	vadd.f32 v11, v5;
	v10 =	vmul.f32 v29, v19;
	v29 =	vor.u32 $0x300, v22  }
0x131: {  	v4 =	vld [tilespmem:s31+$0x2100];
	v23 =	vadd.f32 v23, v5;
	v13 =	vadd.f32 v57, v5;
	v22 =	vor.u32 $0x380, v22  }
0x132: {  	v26 =	vld.idx.msk [tilespmem:v26+s16+$0x0], $0xffff;
	v43 =	vmul.f32 v59, v2;
	v19 =	vmul.f32 v17, v6;
	v36 =	vadd.f32 v28, v0  }
0x133: {  	v18 =	vmul.f32 v31, v18;
	v16 =	vadd.f32 v10, v9;
	v9 =	vmul.f32 v17, v3  }
0x134: {  	v63 =	vld.idx.msk [tilespmem:v7+s16+$0x0], $0xffff;
	v10 =	vadd.f32 v19, v5;
	v17 =	vor.u32 $0x200, v7;
	v7 =	vmul.f32 v25, v2  }
0x135: {  	v11 =	vadd.f32 v9, v1;
	v9 =	vmul.f32 v25, v24;
	v25 =	vmul.f32 v52, v24;
	v19 =	vld.idx.msk [tilespmem:v29+s16+$0x0], $0xffff  }
0x136: {  	v7 =	vadd.f32 v7, v0;
	v29 =	vor.u32 $0x280, v12;
	v12 =	vadd.f32 v53, v1;
	v48 =	vld.idx.msk [tilespmem:v22+s16+$0x0], $0xffff  }
0x137: {  	v22 =	vmul.f32 v26, v24;
	v9 =	vadd.f32 v9, v4;
	v60 =	vadd.f32 v25, v4;
	v25 =	vld.idx.msk [tilespmem:v30+s16+$0x0], $0xffff  }
0x138: {  	v31 =	vadd.f32 v18, v12;
	v12 =	vmul.f32 v54, v55;
	v18 =	vld.idx.msk [tilespmem:v20+s16+$0x0], $0xffff;
	v20 =	vmul.f32 v26, v2  }
0x139: {  	v26 =	vld.idx.msk [tilespmem:v62+s16+$0x0], $0xffff;
	v22 =	vadd.f32 v22, v4;
	v62 =	vmul.f32 v47, v24;
	v30 =	vmul.f32 v60, v63  }
0x13a: {  	v21 =	vld.idx.msk [tilespmem:v21+s16+$0x0], $0xffff;
	v63 =	vmul.f32 v33, v24;
	v35 =	vadd.f32 v12, v56;
	v12 =	vmul.f32 v59, v24  }
0x13b: {  	v41 =	vld.idx.msk [tilespmem:v32+s16+$0x0], $0xffff;
	v20 =	vadd.f32 v20, v0;
	v44 =	vadd.f32 v62, v4;
	v49 =	vmul.f32 v19, v24  }
0x13c: {  	s5 =	simm.s32 $0x0;
	s4 =	simm.s32 $0x0;
	v42 =	vld.idx.msk [tilespmem:v42+s16+$0x0], $0xffff;
	v40 =	vmul.f32 v48, v24;
	v24 =	vmul.f32 v27, v3;
	v27 =	vadd.f32 v63, v4  }
0x13d: {  	s6 =	simm.s32 $0x20;
	s3 =	simm.s32 $0x0;
	s7 =	simm.s32 $0x20;
	v14 =	vld.idx.msk [tilespmem:v58+s16+$0x0], $0xffff;
	v46 =	vmul.f32 v47, v2;
	v39 =	vadd.f32 v12, v4;
	v32 =	vadd.f32 v49, v4  }
0x13e: {  	s15 =	sadd.s32 $0xE000, s24;
	s22 =	simm.s32 $0x1020;
	s24 =	simm.s32 $0x1;
	v28 =	vld.idx.msk [tilespmem:v38+s16+$0x0], $0xffff;
	v38 =	vmul.f32 v48, v2;
	v12 =	vadd.f32 v61, v1;
	v24 =	vadd.f32 v24, v1  }
.LBB2_6:
0x13f: {  	s9 =	sand.u32 $0x60, s6;
	s5 =	sadd.s32 $0x2, s5;
	v15 =	vmul.f32 v44, v15;
	v25 =	vmul.f32 v32, v25;
	v4 =	vadd.f32 v40, v4;
	v32 =	vld.idx.msk [tilespmem:v34+s16+$0x0], $0xffff;
	s2 =	sadd.s32 $0x100, s2  }
0x140: {  	s10 =	sand.u32 $0xF80, s6;
	v40 =	vmul.f32 v19, v2;
	v19 =	vadd.f32 v38, v0;
	s8 =	sor.u32 $0x10, s9;
	p0 =	slt.u32 s5, $0xFE;
	v34 =	vadd.f32 v46, v0;
	v29 =	vld.idx.msk [tilespmem:v29+s16+$0x0], $0xffff  }
0x141: {  	v2 =	vmul.f32 v33, v2;
	s10 =	sor.u32 s10, s8;
	v4 =	vmul.f32 v4, v26;
	v8 =	vld.idx.msk [tilespmem:v8+s16+$0x0], $0xffff;
	v26 =	vadd.f32 v45, v5  }
0x142: {  	v38 =	vadd.f32 v43, v0;
	v6 =	vmul.f32 v21, v6;
	v33 =	vld [tilespmem:s10+$0x0];
	v15 =	vadd.f32 v15, v34;
	[tilespmem:s0+$0xE000] =	vst v16  }
0x143: {  	v10 =	vmul.f32 v10, v28;
	v16 =	vld [tilespmem:s10+$0x1000];
	v19 =	vadd.f32 v4, v19;
	[tilespmem:s0+$0xE080] =	vst v31;
	v4 =	vmul.f32 v37, v3  }
0x144: {  	v28 =	vmul.f32 v39, v41;
	v31 =	vmul.f32 v26, v42;
	v5 =	vadd.f32 v6, v5;
	[tilespmem:s0+$0xE180] =	vst v35  }
0x145: {  	v34 =	vadd.f32 v2, v0;
	v10 =	vadd.f32 v10, v11;
	v23 =	vmul.f32 v23, v32  }
0x146: {  	v11 =	vadd.f32 v40, v0;
	v29 =	vmul.f32 v5, v29;
	v6 =	vld.idx.msk [tilespmem:v17+s16+$0x0], $0xffff;
	v17 =	vadd.f32 v4, v1  }
0x147: {  	s12 =	sand.u32 $0x7C00, s2;
	v32 =	vld [tilespmem:s22+$0x0];
	v0 =	vand.u32 $0x7F, v33;
	v2 =	vshll.u32 v33, $0x3;
	[tilespmem:s31+$0xE180] =	vst v15;
	v15 =	vmul.f32 v21, v3  }
0x148: {  	s11 =	sor.u32 s9, s12;
	s10 =	sadd.s32 $0xE000, s12;
	s12 =	sor.u32 s12, s8;
	v5 =	vadd.f32 v28, v38;
	v33 =	vld [tilespmem:s7+$0x0];
	v3 =	vand.u32 $0xFFFFFC00, v2;
	v4 =	vshll.u32 v16, $0x3  }
0x149: {  	v2 =	vld [tilespmem:s11+$0x2080];
	v28 =	vor.u32 v0, v3;
	v35 =	vand.u32 $0xFFFFFC00, v4;
	v3 =	vadd.f32 v30, v36  }
0x14a: {  	v0 =	vld [tilespmem:s11+$0x2000];
	v30 =	vor.u32 $0x80, v28;
	v26 =	vor.u32 $0x100, v28;
	v36 =	vor.u32 $0x300, v28  }
0x14b: {  	v17 =	vadd.f32 v31, v17;
	v37 =	vor.u32 $0x200, v28;
	v21 =	vor.u32 $0x280, v28;
	v4 =	vld [tilespmem:s11+$0x2100];
	[tilespmem:s31+$0xE000] =	vst v3  }
0x14c: {  	v16 =	vand.u32 $0x7F, v16;
	v31 =	vor.u32 $0x380, v28;
	v22 =	vmul.f32 v22, v6;
	v3 =	vld [tilespmem:s12+$0x2080];
	[tilespmem:s31+$0xE080] =	vst v5  }
0x14d: {  	v18 =	vmul.f32 v27, v18;
	v35 =	vor.u32 v16, v35;
	v16 =	vor.u32 $0x180, v28;
	v6 =	vld [tilespmem:s12+$0x2180]  }
0x14e: {  	v38 =	vor.u32 $0x80, v35;
	v27 =	vshll.u32 v32, $0x3;
	v20 =	vadd.f32 v22, v20;
	v5 =	vld [tilespmem:s12+$0x2100]  }
0x14f: {  	v23 =	vadd.f32 v23, v24;
	v22 =	vand.u32 $0x7F, v32;
	v27 =	vand.u32 $0xFFFFFC00, v27;
	v39 =	vld [tilespmem:s12+$0x2000]  }
0x150: {  	v18 =	vadd.f32 v18, v34;
	v24 =	vor.u32 $0x100, v35;
	v22 =	vor.u32 v22, v27;
	v40 =	vld.idx.msk [tilespmem:v28+s16+$0x0], $0xffff  }
0x151: {  	v13 =	vmul.f32 v13, v8;
	v27 =	vor.u32 $0x80, v22;
	v34 =	vor.u32 $0x180, v22;
	v28 =	vld [tilespmem:s11+$0x2180];
	[tilespmem:s0+$0xE100] =	vst v17;
	s0 =	smov.u32 s12  }
0x152: {  	v9 =	vmul.f32 v9, v14;
	v8 =	vshll.u32 v33, $0x3;
	v41 =	vor.u32 $0x100, v22;
	s12 =	sor.u32 s29, s15;
	s29 =	smov.u32 s9;
	v32 =	vld.idx.msk [tilespmem:v36+s16+$0x0], $0xffff;
	[tilespmem:s31+$0xE100] =	vst v18;
	s31 =	smov.u32 s11  }
0x153: {  	v15 =	vadd.f32 v15, v1;
	v14 =	vand.u32 $0x7F, v33;
	v8 =	vand.u32 $0xFFFFFC00, v8;
	s9 =	sand.u32 $0x3, s4;
	s4 =	smov.u32 s24;
	v17 =	vld.idx.msk [tilespmem:v35+s16+$0x0], $0xffff;
	[tilespmem:s12+$0x200] =	vst v20  }
0x154: {  	v12 =	vadd.f32 v13, v12;
	v14 =	vor.u32 v14, v8;
	v8 =	vor.u32 $0x200, v35;
	s9 =	sshll.u32 s9, $0x5;
	v18 =	vld.idx.msk [tilespmem:v31+s16+$0x0], $0xffff;
	v1 =	vmovc v39  }
0x155: {  	v15 =	vadd.f32 v29, v15;
	v13 =	vor.u32 $0x80, v14;
	s11 =	sor.u32 s30, s15;
	v20 =	vor.u32 $0x280, v14;
	s9 =	sadd.s32 s9, s3;
	s3 =	smov.u32 s2;
	v16 =	vld.idx.msk [tilespmem:v16+s16+$0x0], $0xffff  }
0x156: {  	v29 =	vor.u32 $0x200, v14;
	s30 =	smov.u32 s8;
	s15 =	smov.u32 s10;
	s13 =	sadd.s32 $0x10, s9;
	v31 =	vmul.f32 v40, v3;
	v33 =	vmul.f32 v40, v6;
	v36 =	vld.idx.msk [tilespmem:v37+s16+$0x0], $0xffff;
	[tilespmem:s11+$0x200] =	vst v12  }
0x157: {  	v7 =	vadd.f32 v9, v7;
	v42 =	vor.u32 $0x380, v35;
	s8 =	sor.u32 $0x300, s13;
	v12 =	vor.u32 $0x180, v14;
	v30 =	vld.idx.msk [tilespmem:v30+s16+$0x0], $0xffff;
	[tilespmem:s11+$0x280] =	vst v15  }
0x158: {  	v9 =	vor.u32 $0x100, v14;
	v39 =	vor.u32 $0x380, v22;
	v33 =	vadd.f32 v33, v5;
	v15 =	vld.idx.msk [tilespmem:v34+s16+$0x0], $0xffff;
	[tilespmem:s8+$0xE000] =	vst v23  }
0x159: {  	s10 =	sor.u32 $0x380, s13;
	v31 =	vadd.f32 v31, v1;
	v34 =	vor.u32 $0x180, v35;
	s8 =	sor.u32 $0x300, s9;
	v23 =	vld.idx.msk [tilespmem:v38+s16+$0x0], $0xffff;
	[tilespmem:s12+$0x280] =	vst v7;
	v7 =	vadd.f32 v25, v11  }
0x15a: {  	s9 =	sor.u32 $0x380, s9;
	v11 =	vmul.f32 v33, v17;
	v17 =	vmul.f32 v18, v6;
	v38 =	vld.idx.msk [tilespmem:v22+s16+$0x0], $0xffff;
	[tilespmem:s10+$0xE000] =	vst v10  }
0x15b: {  	v25 =	vor.u32 $0x300, v14;
	v33 =	vmul.f32 v16, v3;
	v37 =	vmul.f32 v16, v6;
	v20 =	vld.idx.msk [tilespmem:v20+s16+$0x0], $0xffff;
	[tilespmem:s8+$0xE000] =	vst v7  }
0x15c: {  	v16 =	vadd.f32 v11, v31;
	v7 =	vmul.f32 v18, v3;
	v10 =	vadd.f32 v17, v5;
	[tilespmem:s9+$0xE000] =	vst v19  }
0x15d: {  	v31 =	vmul.f32 v30, v3;
	v11 =	vmul.f32 v30, v6;
	v30 =	vadd.f32 v37, v5;
	v18 =	vld.idx.msk [tilespmem:v14+s16+$0x0], $0xffff  }
0x15e: {  	v17 =	vor.u32 $0x200, v22;
	v40 =	vadd.f32 v33, v1;
	v14 =	vor.u32 $0x380, v14;
	v37 =	vld.idx.msk [tilespmem:v34+s16+$0x0], $0xffff  }
0x15f: {  	v44 =	vmul.f32 v36, v6;
	v33 =	vadd.f32 v11, v5;
	v11 =	vadd.f32 v7, v1;
	v43 =	vld.idx.msk [tilespmem:v29+s16+$0x0], $0xffff  }
0x160: {  	v45 =	vor.u32 $0x280, v22;
	v34 =	vor.u32 $0x300, v35;
	v29 =	vor.u32 $0x280, v35;
	v19 =	vld.idx.msk [tilespmem:v25+s16+$0x0], $0xffff  }
0x161: {  	v7 =	vmul.f32 v20, v28;
	v23 =	vmul.f32 v33, v23;
	v46 =	vld.idx.msk [tilespmem:v13+s16+$0x0], $0xffff;
	v13 =	vadd.f32 v31, v1  }
0x162: {  	v25 =	vor.u32 $0x300, v22;
	v20 =	vmul.f32 v20, v2;
	v22 =	vmul.f32 v32, v6;
	v33 =	vld.idx.msk [tilespmem:v9+s16+$0x0], $0xffff  }
0x163: {  	v9 =	vadd.f32 v7, v4;
	v47 =	vld.idx.msk [tilespmem:v12+s16+$0x0], $0xffff;
	v12 =	vmul.f32 v18, v28;
	v31 =	vadd.f32 v23, v13  }
0x164: {  	v7 =	vadd.f32 v20, v0;
	v13 =	vmul.f32 v30, v37;
	v23 =	vadd.f32 v22, v5;
	v48 =	vld.idx.msk [tilespmem:v14+s16+$0x0], $0xffff  }
0x165: {  	v49 =	vmul.f32 v18, v2;
	v14 =	vmul.f32 v43, v28;
	v12 =	vadd.f32 v12, v4;
	v37 =	vld.idx.msk [tilespmem:v26+s16+$0x0], $0xffff  }
0x166: {  	v20 =	vmul.f32 v43, v2;
	v35 =	vadd.f32 v13, v40;
	v13 =	vadd.f32 v44, v5;
	v18 =	vld.idx.msk [tilespmem:v41+s16+$0x0], $0xffff  }
0x167: {  	v36 =	vmul.f32 v36, v3;
	v22 =	vadd.f32 v14, v4;
	v26 =	vld.idx.msk [tilespmem:v39+s16+$0x0], $0xffff;
	v39 =	vmul.f32 v46, v28  }
0x168: {  	v50 =	vmul.f32 v19, v28;
	v20 =	vadd.f32 v20, v0;
	v30 =	vmul.f32 v12, v38;
	v25 =	vld.idx.msk [tilespmem:v25+s16+$0x0], $0xffff  }
.Ltmp2:
0x169: {  	v12 =	vadd.f32 v36, v1;
	v38 =	vmul.f32 v47, v28;
	v14 =	vld.idx.msk [tilespmem:v45+s16+$0x0], $0xffff;
	v39 =	vadd.f32 v39, v4;
	(pc) =	sbr.rel @p0 .LBB2_6-.Ltmp2, $4  }
0x16a: {  	v36 =	vadd.f32 v49, v0;
	v45 =	vmul.f32 v33, v28;
	v40 =	vmul.f32 v48, v28;
	v28 =	vld.idx.msk [tilespmem:v42+s16+$0x0], $0xffff  }
0x16b: {  	v44 =	vadd.f32 v38, v4;
	v38 =	vmul.f32 v48, v2;
	v48 =	vmul.f32 v32, v3;
	v21 =	vld.idx.msk [tilespmem:v21+s16+$0x0], $0xffff  }
0x16c: {  	s22 =	sadd.s32 $0x20, s22;
	v43 =	vmul.f32 v46, v2;
	v32 =	vadd.f32 v50, v4;
	v41 =	vld.idx.msk [tilespmem:v27+s16+$0x0], $0xffff;
	v27 =	vadd.f32 v45, v4  }
0x16d: {  	s6 =	sadd.s32 $0x20, s6;
	s7 =	sadd.s32 $0x20, s7;
	s24 =	sadd.s32 $0x1, s24;
	v46 =	vmul.f32 v47, v2;
	v45 =	vmul.f32 v37, v6;
	v42 =	vld.idx.msk [tilespmem:v24+s16+$0x0], $0xffff;
	v24 =	vadd.f32 v48, v1  }
0x16e: {  	_ =	sdelay $0x3  }
0x16f: {  	v34 =	vld.idx.msk [tilespmem:v34+s16+$0x0], $0xffff  }
0x170: {  	v29 =	vld.idx.msk [tilespmem:v29+s16+$0x0], $0xffff  }
0x171: {  	v15 =	vmul.f32 v44, v15;
	v8 =	vld.idx.msk [tilespmem:v8+s16+$0x0], $0xffff  }
0x172: {  	v33 =	vmul.f32 v33, v2;
	v17 =	vld.idx.msk [tilespmem:v17+s16+$0x0], $0xffff;
	v43 =	vadd.f32 v43, v0;
	v61 =	vadd.f32 v46, v0  }
0x173: {  	[tilespmem:s0+$0xE000] =	vst v16;
	v16 =	vmul.f32 v37, v3;
	v45 =	vadd.f32 v45, v5;
	v6 =	vmul.f32 v21, v6  }
0x174: {  	[tilespmem:s0+$0xE080] =	vst v31;
	v30 =	vadd.f32 v30, v36;
	v15 =	vadd.f32 v15, v61;
	v31 =	vmul.f32 v39, v41  }
0x175: {  	[tilespmem:s0+$0xE180] =	vst v35;
	v16 =	vadd.f32 v16, v1;
	v5 =	vadd.f32 v6, v5;
	v6 =	vmul.f32 v45, v42  }
0x176: {  	v18 =	vmul.f32 v27, v18;
	v33 =	vadd.f32 v33, v0;
	[tilespmem:s31+$0xE180] =	vst v15;
	v15 =	vadd.f32 v31, v43  }
0x177: {  	v3 =	vmul.f32 v21, v3;
	[tilespmem:s31+$0xE000] =	vst v30;
	v6 =	vadd.f32 v6, v16;
	v16 =	vmul.f32 v22, v17  }
0x178: {  	v8 =	vmul.f32 v13, v8;
	[tilespmem:s31+$0xE080] =	vst v15;
	v15 =	vadd.f32 v18, v33  }
0x179: {  	s7 =	sand.u32 $0x3, s4;
	v1 =	vadd.f32 v3, v1;
	v5 =	vmul.f32 v5, v29;
	v13 =	vadd.f32 v16, v20;
	[tilespmem:s0+$0xE100] =	vst v6  }
0x17a: {  	s2 =	sor.u32 s29, s15;
	v3 =	vmul.f32 v23, v34;
	s0 =	sshll.u32 s7, $0x5;
	v6 =	vadd.f32 v8, v12;
	[tilespmem:s31+$0xE100] =	vst v15  }
0x17b: {  	v2 =	vmul.f32 v19, v2;
	s8 =	sor.u32 s30, s15;
	v8 =	vmul.f32 v9, v14;
	v1 =	vadd.f32 v5, v1;
	s0 =	sadd.s32 s0, s3;
	[tilespmem:s2+$0x200] =	vst v13  }
0x17c: {  	v4 =	vadd.f32 v40, v4;
	v3 =	vadd.f32 v3, v24;
	v5 =	vmul.f32 v10, v28;
	[tilespmem:s8+$0x200] =	vst v6;
	s9 =	sadd.s32 $0x10, s0  }
0x17d: {  	v2 =	vadd.f32 v2, v0;
	v6 =	vmul.f32 v32, v25;
	v7 =	vadd.f32 v8, v7;
	[tilespmem:s8+$0x280] =	vst v1;
	s10 =	sor.u32 $0x300, s9  }
0x17e: {  	v0 =	vadd.f32 v38, v0;
	v1 =	vmul.f32 v4, v26;
	v4 =	vadd.f32 v5, v11;
	[tilespmem:s10+$0xE000] =	vst v3  }
0x17f: {  	s11 =	sor.u32 $0x380, s9;
	[tilespmem:s2+$0x280] =	vst v7;
	v2 =	vadd.f32 v6, v2  }
0x180: {  	s12 =	sor.u32 $0x300, s0;
	v0 =	vadd.f32 v1, v0;
	[tilespmem:s11+$0xE000] =	vst v4  }
0x181: {  	s0 =	sor.u32 $0x380, s0;
	[tilespmem:s12+$0xE000] =	vst v2  }
0x182: {  	[tilespmem:s0+$0xE000] =	vst v0  }
0x183: {  	s13 =	simm.s32 $0xE000;
	s2 =	simm.s32 $0x0;
	s0 =	rddreg [dreg:$0xd]  }
0x184: {  	[hbm4b:s0+s2] =	stream.linear.scatter [tilespmem:s13], [sflag:$0x6], $0x8000, $0x38;
	[tilespmem:$0x1E000] =	vst v63  }
0x185: {  	_ =	swait.ge [sflag:s23], $0x2000  }
0x186: {  	[sflag:s23] =	ssyncset.done $0x0  }
0x187: {  	[sflag:s23] =	ssyncadd.s32 $0xFFFFE000  }
0x188: {  	s29 =	sand.u32 $0x60, s2;
	_ =	swait.ge [sflag:s26], $0x8000  }
0x189: {  	s15 =	sand.u32 $0xF80, s2;
	s30 =	sor.u32 $0x10, s29;
	[sflag:s26] =	ssyncset.done $0x0  }
0x18a: {  	s0 =	sor.u32 s15, s30;
	[sflag:s26] =	ssyncadd.s32 $0xFFFF8000  }
0x18b: {  	v0 =	vld [tilespmem:s0+$0x0]  }
0x18c: {  	v1 =	vld [tilespmem:s0+$0x1000]  }
0x18d: {  	s22 =	simm.s32 $0x1000  }
0x18e: {  	s24 =	sand.u32 $0x7C00, s2;
	v7 =	vld [tilespmem:s22+$0x0]  }
0x18f: {  	s31 =	sor.u32 s29, s24;
	v8 =	vld [tilespmem:s2+$0x0]  }
0x190: {  	v2 =	vld [tilespmem:s31+$0x2080];
	v3 =	vshll.u32 v0, $0x3  }
0x191: {  	s0 =	sor.u32 s24, s30;
	v24 =	vld [tilespmem:s31+$0x2180];
	v4 =	vand.u32 $0x7F, v0;
	v5 =	vshll.u32 v1, $0x3;
	v3 =	vand.u32 $0xFFFFFC00, v3  }
0x192: {  	v6 =	vld [tilespmem:s0+$0x2180];
	v1 =	vand.u32 $0x7F, v1;
	v5 =	vand.u32 $0xFFFFFC00, v5;
	v9 =	vor.u32 v4, v3  }
0x193: {  	v0 =	vld [tilespmem:s31+$0x2000];
	v12 =	vor.u32 v1, v5  }
0x194: {  	v3 =	vld [tilespmem:s0+$0x2080];
	v10 =	vor.u32 $0x300, v9  }
0x195: {  	v17 =	vshll.u32 v7, $0x3;
	v7 =	vand.u32 $0x7F, v7;
	v5 =	vld [tilespmem:s0+$0x2100];
	v15 =	vor.u32 $0x380, v9  }
0x196: {  	v17 =	vand.u32 $0xFFFFFC00, v17;
	v1 =	vld [tilespmem:s0+$0x2000];
	v11 =	vor.u32 $0x80, v9;
	v16 =	vor.u32 $0x180, v9  }
0x197: {  	v13 =	vor.u32 $0x100, v9;
	v14 =	vor.u32 $0x200, v9;
	v21 =	vor.u32 $0x280, v9;
	v9 =	vld.idx.msk [tilespmem:v9+s21+$0x0], $0xffff  }
0x198: {  	v7 =	vor.u32 v7, v17;
	v17 =	vshll.u32 v8, $0x3;
	v19 =	vld.idx.msk [tilespmem:v12+s21+$0x0], $0xffff  }
0x199: {  	v8 =	vand.u32 $0x7F, v8;
	v18 =	vor.u32 $0x80, v12;
	v17 =	vand.u32 $0xFFFFFC00, v17;
	v27 =	vld.idx.msk [tilespmem:v10+s21+$0x0], $0xffff  }
0x19a: {  	v22 =	vor.u32 v8, v17;
	v17 =	vld.idx.msk [tilespmem:v15+s21+$0x0], $0xffff  }
0x19b: {  	v42 =	vor.u32 $0x100, v12;
	v16 =	vld.idx.msk [tilespmem:v16+s21+$0x0], $0xffff  }
0x19c: {  	v32 =	vor.u32 $0x80, v7;
	v20 =	vor.u32 $0x100, v7;
	v31 =	vor.u32 $0x180, v12;
	v11 =	vld.idx.msk [tilespmem:v11+s21+$0x0], $0xffff  }
0x19d: {  	v38 =	vor.u32 $0x380, v12;
	v62 =	vor.u32 $0x380, v7;
	v23 =	vor.u32 $0x80, v22;
	v14 =	vld.idx.msk [tilespmem:v14+s21+$0x0], $0xffff  }
0x19e: {  	v58 =	vor.u32 $0x280, v7;
	v34 =	vor.u32 $0x300, v12;
	v30 =	vor.u32 $0x100, v22;
	v18 =	vld.idx.msk [tilespmem:v18+s21+$0x0], $0xffff  }
0x19f: {  	v8 =	vor.u32 $0x200, v12;
	v25 =	vor.u32 $0x280, v22;
	v37 =	vld.idx.msk [tilespmem:v13+s21+$0x0], $0xffff;
	v15 =	vmul.f32 v9, v6  }
0x1a0: {  	v28 =	vor.u32 $0x180, v22;
	v52 =	vld.idx.msk [tilespmem:v22+s21+$0x0], $0xffff;
	v9 =	vmul.f32 v9, v3;
	v50 =	vmul.f32 v16, v3  }
0x1a1: {  	v10 =	vor.u32 $0x180, v7;
	v55 =	vld.idx.msk [tilespmem:v31+s21+$0x0], $0xffff;
	v51 =	vmul.f32 v16, v6;
	v53 =	vmul.f32 v11, v3  }
0x1a2: {  	v26 =	vor.u32 $0x200, v22;
	v59 =	vld.idx.msk [tilespmem:v23+s21+$0x0], $0xffff;
	v11 =	vmul.f32 v11, v6;
	v57 =	vmul.f32 v14, v6  }
0x1a3: {  	v33 =	vld.idx.msk [tilespmem:v30+s21+$0x0], $0xffff;
	v30 =	vor.u32 $0x300, v7;
	v23 =	vmul.f32 v27, v6;
	v61 =	vmul.f32 v14, v3  }
0x1a4: {  	v25 =	vld.idx.msk [tilespmem:v25+s21+$0x0], $0xffff;
	v45 =	vmul.f32 v37, v6;
	v29 =	vadd.f32 v15, v5;
	v9 =	vadd.f32 v9, v1  }
0x1a5: {  	v47 =	vld.idx.msk [tilespmem:v28+s21+$0x0], $0xffff;
	v28 =	vmul.f32 v52, v2;
	v54 =	vadd.f32 v51, v5;
	v56 =	vadd.f32 v50, v1  }
0x1a6: {  	v15 =	vld.idx.msk [tilespmem:v10+s21+$0x0], $0xffff;
	v31 =	vadd.f32 v11, v5;
	v10 =	vmul.f32 v29, v19;
	v29 =	vor.u32 $0x300, v22  }
0x1a7: {  	v4 =	vld [tilespmem:s31+$0x2100];
	v23 =	vadd.f32 v23, v5;
	v13 =	vadd.f32 v57, v5;
	v22 =	vor.u32 $0x380, v22  }
0x1a8: {  	v26 =	vld.idx.msk [tilespmem:v26+s21+$0x0], $0xffff;
	v43 =	vmul.f32 v59, v2;
	v19 =	vmul.f32 v17, v6;
	v36 =	vadd.f32 v28, v0  }
0x1a9: {  	v18 =	vmul.f32 v31, v18;
	v16 =	vadd.f32 v10, v9;
	v9 =	vmul.f32 v17, v3  }
0x1aa: {  	v63 =	vld.idx.msk [tilespmem:v7+s21+$0x0], $0xffff;
	v10 =	vadd.f32 v19, v5;
	v17 =	vor.u32 $0x200, v7;
	v7 =	vmul.f32 v25, v2  }
0x1ab: {  	v11 =	vadd.f32 v9, v1;
	v9 =	vmul.f32 v25, v24;
	v25 =	vmul.f32 v52, v24;
	v19 =	vld.idx.msk [tilespmem:v29+s21+$0x0], $0xffff  }
0x1ac: {  	v7 =	vadd.f32 v7, v0;
	v29 =	vor.u32 $0x280, v12;
	v12 =	vadd.f32 v53, v1;
	v48 =	vld.idx.msk [tilespmem:v22+s21+$0x0], $0xffff  }
0x1ad: {  	v22 =	vmul.f32 v26, v24;
	v9 =	vadd.f32 v9, v4;
	v60 =	vadd.f32 v25, v4;
	v25 =	vld.idx.msk [tilespmem:v30+s21+$0x0], $0xffff  }
0x1ae: {  	v31 =	vadd.f32 v18, v12;
	v12 =	vmul.f32 v54, v55;
	v18 =	vld.idx.msk [tilespmem:v20+s21+$0x0], $0xffff;
	v20 =	vmul.f32 v26, v2  }
0x1af: {  	v26 =	vld.idx.msk [tilespmem:v62+s21+$0x0], $0xffff;
	v22 =	vadd.f32 v22, v4;
	v62 =	vmul.f32 v47, v24;
	v30 =	vmul.f32 v60, v63  }
0x1b0: {  	v21 =	vld.idx.msk [tilespmem:v21+s21+$0x0], $0xffff;
	v63 =	vmul.f32 v33, v24;
	v35 =	vadd.f32 v12, v56;
	v12 =	vmul.f32 v59, v24  }
0x1b1: {  	v41 =	vld.idx.msk [tilespmem:v32+s21+$0x0], $0xffff;
	v20 =	vadd.f32 v20, v0;
	v44 =	vadd.f32 v62, v4;
	v49 =	vmul.f32 v19, v24  }
0x1b2: {  	s5 =	simm.s32 $0x0;
	s6 =	simm.s32 $0x20;
	v42 =	vld.idx.msk [tilespmem:v42+s21+$0x0], $0xffff;
	v40 =	vmul.f32 v48, v24;
	v24 =	vmul.f32 v27, v3;
	v27 =	vadd.f32 v63, v4  }
0x1b3: {  	s4 =	simm.s32 $0x0;
	s7 =	simm.s32 $0x20;
	s3 =	simm.s32 $0x0;
	v14 =	vld.idx.msk [tilespmem:v58+s21+$0x0], $0xffff;
	v46 =	vmul.f32 v47, v2;
	v39 =	vadd.f32 v12, v4;
	v32 =	vadd.f32 v49, v4  }
0x1b4: {  	s15 =	sadd.s32 $0x16000, s24;
	s22 =	simm.s32 $0x1020;
	s24 =	simm.s32 $0x1;
	v28 =	vld.idx.msk [tilespmem:v38+s21+$0x0], $0xffff;
	v38 =	vmul.f32 v48, v2;
	v12 =	vadd.f32 v61, v1;
	v24 =	vadd.f32 v24, v1  }
.LBB2_8:
0x1b5: {  	s9 =	sand.u32 $0x60, s6;
	s5 =	sadd.s32 $0x2, s5;
	v15 =	vmul.f32 v44, v15;
	v25 =	vmul.f32 v32, v25;
	v4 =	vadd.f32 v40, v4;
	v32 =	vld.idx.msk [tilespmem:v34+s21+$0x0], $0xffff;
	s2 =	sadd.s32 $0x100, s2  }
0x1b6: {  	s10 =	sand.u32 $0xF80, s6;
	v40 =	vmul.f32 v19, v2;
	v19 =	vadd.f32 v38, v0;
	s8 =	sor.u32 $0x10, s9;
	p0 =	slt.u32 s5, $0xFE;
	v34 =	vadd.f32 v46, v0;
	v29 =	vld.idx.msk [tilespmem:v29+s21+$0x0], $0xffff  }
0x1b7: {  	v2 =	vmul.f32 v33, v2;
	s10 =	sor.u32 s10, s8;
	v4 =	vmul.f32 v4, v26;
	v8 =	vld.idx.msk [tilespmem:v8+s21+$0x0], $0xffff;
	v26 =	vadd.f32 v45, v5  }
0x1b8: {  	v38 =	vadd.f32 v43, v0;
	v6 =	vmul.f32 v21, v6;
	v33 =	vld [tilespmem:s10+$0x0];
	v15 =	vadd.f32 v15, v34;
	[tilespmem:s0+$0x16000] =	vst v16  }
0x1b9: {  	v10 =	vmul.f32 v10, v28;
	v16 =	vld [tilespmem:s10+$0x1000];
	v19 =	vadd.f32 v4, v19;
	[tilespmem:s0+$0x16080] =	vst v31;
	v4 =	vmul.f32 v37, v3  }
0x1ba: {  	v28 =	vmul.f32 v39, v41;
	v31 =	vmul.f32 v26, v42;
	v5 =	vadd.f32 v6, v5;
	[tilespmem:s0+$0x16180] =	vst v35  }
0x1bb: {  	v34 =	vadd.f32 v2, v0;
	v10 =	vadd.f32 v10, v11;
	v23 =	vmul.f32 v23, v32  }
0x1bc: {  	v11 =	vadd.f32 v40, v0;
	v29 =	vmul.f32 v5, v29;
	v6 =	vld.idx.msk [tilespmem:v17+s21+$0x0], $0xffff;
	v17 =	vadd.f32 v4, v1  }
0x1bd: {  	s12 =	sand.u32 $0x7C00, s2;
	v32 =	vld [tilespmem:s22+$0x0];
	v0 =	vand.u32 $0x7F, v33;
	v2 =	vshll.u32 v33, $0x3;
	[tilespmem:s31+$0x16180] =	vst v15;
	v15 =	vmul.f32 v21, v3  }
0x1be: {  	s11 =	sor.u32 s9, s12;
	s10 =	sadd.s32 $0x16000, s12;
	s12 =	sor.u32 s12, s8;
	v5 =	vadd.f32 v28, v38;
	v33 =	vld [tilespmem:s7+$0x0];
	v3 =	vand.u32 $0xFFFFFC00, v2;
	v4 =	vshll.u32 v16, $0x3  }
0x1bf: {  	v2 =	vld [tilespmem:s11+$0x2080];
	v28 =	vor.u32 v0, v3;
	v35 =	vand.u32 $0xFFFFFC00, v4;
	v3 =	vadd.f32 v30, v36  }
0x1c0: {  	v0 =	vld [tilespmem:s11+$0x2000];
	v30 =	vor.u32 $0x80, v28;
	v26 =	vor.u32 $0x100, v28;
	v36 =	vor.u32 $0x300, v28  }
0x1c1: {  	v17 =	vadd.f32 v31, v17;
	v37 =	vor.u32 $0x200, v28;
	v21 =	vor.u32 $0x280, v28;
	v4 =	vld [tilespmem:s11+$0x2100];
	[tilespmem:s31+$0x16000] =	vst v3  }
0x1c2: {  	v16 =	vand.u32 $0x7F, v16;
	v31 =	vor.u32 $0x380, v28;
	v22 =	vmul.f32 v22, v6;
	v3 =	vld [tilespmem:s12+$0x2080];
	[tilespmem:s31+$0x16080] =	vst v5  }
0x1c3: {  	v18 =	vmul.f32 v27, v18;
	v35 =	vor.u32 v16, v35;
	v16 =	vor.u32 $0x180, v28;
	v6 =	vld [tilespmem:s12+$0x2180]  }
0x1c4: {  	v38 =	vor.u32 $0x80, v35;
	v27 =	vshll.u32 v32, $0x3;
	v20 =	vadd.f32 v22, v20;
	v5 =	vld [tilespmem:s12+$0x2100]  }
0x1c5: {  	v23 =	vadd.f32 v23, v24;
	v22 =	vand.u32 $0x7F, v32;
	v27 =	vand.u32 $0xFFFFFC00, v27;
	v39 =	vld [tilespmem:s12+$0x2000]  }
0x1c6: {  	v18 =	vadd.f32 v18, v34;
	v24 =	vor.u32 $0x100, v35;
	v22 =	vor.u32 v22, v27;
	v40 =	vld.idx.msk [tilespmem:v28+s21+$0x0], $0xffff  }
0x1c7: {  	v13 =	vmul.f32 v13, v8;
	v27 =	vor.u32 $0x80, v22;
	v34 =	vor.u32 $0x180, v22;
	v28 =	vld [tilespmem:s11+$0x2180];
	[tilespmem:s0+$0x16100] =	vst v17;
	s0 =	smov.u32 s12  }
0x1c8: {  	v9 =	vmul.f32 v9, v14;
	v8 =	vshll.u32 v33, $0x3;
	v41 =	vor.u32 $0x100, v22;
	s12 =	sor.u32 s29, s15;
	s29 =	smov.u32 s9;
	v32 =	vld.idx.msk [tilespmem:v36+s21+$0x0], $0xffff;
	[tilespmem:s31+$0x16100] =	vst v18;
	s31 =	smov.u32 s11  }
0x1c9: {  	v15 =	vadd.f32 v15, v1;
	v14 =	vand.u32 $0x7F, v33;
	v8 =	vand.u32 $0xFFFFFC00, v8;
	s9 =	sand.u32 $0x3, s4;
	s4 =	smov.u32 s24;
	v17 =	vld.idx.msk [tilespmem:v35+s21+$0x0], $0xffff;
	[tilespmem:s12+$0x200] =	vst v20  }
0x1ca: {  	v12 =	vadd.f32 v13, v12;
	v14 =	vor.u32 v14, v8;
	v8 =	vor.u32 $0x200, v35;
	s9 =	sshll.u32 s9, $0x5;
	v18 =	vld.idx.msk [tilespmem:v31+s21+$0x0], $0xffff;
	v1 =	vmovc v39  }
0x1cb: {  	v15 =	vadd.f32 v29, v15;
	v13 =	vor.u32 $0x80, v14;
	s11 =	sor.u32 s30, s15;
	v20 =	vor.u32 $0x280, v14;
	s9 =	sadd.s32 s9, s3;
	s3 =	smov.u32 s2;
	v16 =	vld.idx.msk [tilespmem:v16+s21+$0x0], $0xffff  }
0x1cc: {  	v29 =	vor.u32 $0x200, v14;
	s30 =	smov.u32 s8;
	s15 =	smov.u32 s10;
	s13 =	sadd.s32 $0x10, s9;
	v31 =	vmul.f32 v40, v3;
	v33 =	vmul.f32 v40, v6;
	v36 =	vld.idx.msk [tilespmem:v37+s21+$0x0], $0xffff;
	[tilespmem:s11+$0x200] =	vst v12  }
0x1cd: {  	v7 =	vadd.f32 v9, v7;
	v42 =	vor.u32 $0x380, v35;
	s8 =	sor.u32 $0x300, s13;
	v12 =	vor.u32 $0x180, v14;
	v30 =	vld.idx.msk [tilespmem:v30+s21+$0x0], $0xffff;
	[tilespmem:s11+$0x280] =	vst v15  }
0x1ce: {  	v9 =	vor.u32 $0x100, v14;
	v39 =	vor.u32 $0x380, v22;
	v33 =	vadd.f32 v33, v5;
	v15 =	vld.idx.msk [tilespmem:v34+s21+$0x0], $0xffff;
	[tilespmem:s8+$0x16000] =	vst v23  }
0x1cf: {  	s10 =	sor.u32 $0x380, s13;
	v31 =	vadd.f32 v31, v1;
	v34 =	vor.u32 $0x180, v35;
	s8 =	sor.u32 $0x300, s9;
	v23 =	vld.idx.msk [tilespmem:v38+s21+$0x0], $0xffff;
	[tilespmem:s12+$0x280] =	vst v7;
	v7 =	vadd.f32 v25, v11  }
0x1d0: {  	s9 =	sor.u32 $0x380, s9;
	v11 =	vmul.f32 v33, v17;
	v17 =	vmul.f32 v18, v6;
	v38 =	vld.idx.msk [tilespmem:v22+s21+$0x0], $0xffff;
	[tilespmem:s10+$0x16000] =	vst v10  }
0x1d1: {  	v25 =	vor.u32 $0x300, v14;
	v33 =	vmul.f32 v16, v3;
	v37 =	vmul.f32 v16, v6;
	v20 =	vld.idx.msk [tilespmem:v20+s21+$0x0], $0xffff;
	[tilespmem:s8+$0x16000] =	vst v7  }
0x1d2: {  	v16 =	vadd.f32 v11, v31;
	v7 =	vmul.f32 v18, v3;
	v10 =	vadd.f32 v17, v5;
	[tilespmem:s9+$0x16000] =	vst v19  }
0x1d3: {  	v31 =	vmul.f32 v30, v3;
	v11 =	vmul.f32 v30, v6;
	v30 =	vadd.f32 v37, v5;
	v18 =	vld.idx.msk [tilespmem:v14+s21+$0x0], $0xffff  }
0x1d4: {  	v17 =	vor.u32 $0x200, v22;
	v40 =	vadd.f32 v33, v1;
	v14 =	vor.u32 $0x380, v14;
	v37 =	vld.idx.msk [tilespmem:v34+s21+$0x0], $0xffff  }
0x1d5: {  	v44 =	vmul.f32 v36, v6;
	v33 =	vadd.f32 v11, v5;
	v11 =	vadd.f32 v7, v1;
	v43 =	vld.idx.msk [tilespmem:v29+s21+$0x0], $0xffff  }
0x1d6: {  	v45 =	vor.u32 $0x280, v22;
	v34 =	vor.u32 $0x300, v35;
	v29 =	vor.u32 $0x280, v35;
	v19 =	vld.idx.msk [tilespmem:v25+s21+$0x0], $0xffff  }
0x1d7: {  	v7 =	vmul.f32 v20, v28;
	v23 =	vmul.f32 v33, v23;
	v46 =	vld.idx.msk [tilespmem:v13+s21+$0x0], $0xffff;
	v13 =	vadd.f32 v31, v1  }
0x1d8: {  	v25 =	vor.u32 $0x300, v22;
	v20 =	vmul.f32 v20, v2;
	v22 =	vmul.f32 v32, v6;
	v33 =	vld.idx.msk [tilespmem:v9+s21+$0x0], $0xffff  }
0x1d9: {  	v9 =	vadd.f32 v7, v4;
	v47 =	vld.idx.msk [tilespmem:v12+s21+$0x0], $0xffff;
	v12 =	vmul.f32 v18, v28;
	v31 =	vadd.f32 v23, v13  }
0x1da: {  	v7 =	vadd.f32 v20, v0;
	v13 =	vmul.f32 v30, v37;
	v23 =	vadd.f32 v22, v5;
	v48 =	vld.idx.msk [tilespmem:v14+s21+$0x0], $0xffff  }
0x1db: {  	v49 =	vmul.f32 v18, v2;
	v14 =	vmul.f32 v43, v28;
	v12 =	vadd.f32 v12, v4;
	v37 =	vld.idx.msk [tilespmem:v26+s21+$0x0], $0xffff  }
0x1dc: {  	v20 =	vmul.f32 v43, v2;
	v35 =	vadd.f32 v13, v40;
	v13 =	vadd.f32 v44, v5;
	v18 =	vld.idx.msk [tilespmem:v41+s21+$0x0], $0xffff  }
0x1dd: {  	v36 =	vmul.f32 v36, v3;
	v22 =	vadd.f32 v14, v4;
	v26 =	vld.idx.msk [tilespmem:v39+s21+$0x0], $0xffff;
	v39 =	vmul.f32 v46, v28  }
0x1de: {  	v50 =	vmul.f32 v19, v28;
	v20 =	vadd.f32 v20, v0;
	v30 =	vmul.f32 v12, v38;
	v25 =	vld.idx.msk [tilespmem:v25+s21+$0x0], $0xffff  }
.Ltmp3:
0x1df: {  	v12 =	vadd.f32 v36, v1;
	v38 =	vmul.f32 v47, v28;
	v14 =	vld.idx.msk [tilespmem:v45+s21+$0x0], $0xffff;
	v39 =	vadd.f32 v39, v4;
	(pc) =	sbr.rel @p0 .LBB2_8-.Ltmp3, $4  }
0x1e0: {  	v36 =	vadd.f32 v49, v0;
	v45 =	vmul.f32 v33, v28;
	v40 =	vmul.f32 v48, v28;
	v28 =	vld.idx.msk [tilespmem:v42+s21+$0x0], $0xffff  }
0x1e1: {  	v44 =	vadd.f32 v38, v4;
	v38 =	vmul.f32 v48, v2;
	v48 =	vmul.f32 v32, v3;
	v21 =	vld.idx.msk [tilespmem:v21+s21+$0x0], $0xffff  }
0x1e2: {  	s22 =	sadd.s32 $0x20, s22;
	v43 =	vmul.f32 v46, v2;
	v32 =	vadd.f32 v50, v4;
	v41 =	vld.idx.msk [tilespmem:v27+s21+$0x0], $0xffff;
	v27 =	vadd.f32 v45, v4  }
0x1e3: {  	s6 =	sadd.s32 $0x20, s6;
	s7 =	sadd.s32 $0x20, s7;
	s24 =	sadd.s32 $0x1, s24;
	v46 =	vmul.f32 v47, v2;
	v45 =	vmul.f32 v37, v6;
	v42 =	vld.idx.msk [tilespmem:v24+s21+$0x0], $0xffff;
	v24 =	vadd.f32 v48, v1  }
0x1e4: {  	_ =	sdelay $0x3  }
0x1e5: {  	v34 =	vld.idx.msk [tilespmem:v34+s21+$0x0], $0xffff  }
0x1e6: {  	v29 =	vld.idx.msk [tilespmem:v29+s21+$0x0], $0xffff  }
0x1e7: {  	v15 =	vmul.f32 v44, v15;
	v8 =	vld.idx.msk [tilespmem:v8+s21+$0x0], $0xffff  }
0x1e8: {  	v33 =	vmul.f32 v33, v2;
	v17 =	vld.idx.msk [tilespmem:v17+s21+$0x0], $0xffff;
	v43 =	vadd.f32 v43, v0;
	v37 =	vmul.f32 v37, v3  }
0x1e9: {  	[tilespmem:s0+$0x16000] =	vst v16;
	v30 =	vadd.f32 v30, v36;
	v18 =	vmul.f32 v27, v18;
	v63 =	vadd.f32 v46, v0  }
0x1ea: {  	[tilespmem:s0+$0x16080] =	vst v31;
	v57 =	vmul.f32 v19, v2;
	v45 =	vadd.f32 v45, v5;
	v33 =	vadd.f32 v33, v0  }
0x1eb: {  	[tilespmem:s0+$0x16180] =	vst v35;
	v6 =	vmul.f32 v21, v6;
	v15 =	vadd.f32 v15, v63;
	v46 =	vmul.f32 v39, v41  }
0x1ec: {  	v16 =	vadd.f32 v37, v1;
	[tilespmem:s31+$0x16000] =	vst v30;
	v48 =	vmul.f32 v45, v42;
	v52 =	vadd.f32 v18, v33  }
0x1ed: {  	v58 =	vmul.f32 v9, v14;
	v50 =	vmul.f32 v21, v3;
	[tilespmem:s31+$0x16180] =	vst v15;
	v49 =	vadd.f32 v46, v43  }
0x1ee: {  	v47 =	vadd.f32 v6, v5;
	v51 =	vmul.f32 v22, v17;
	v6 =	vadd.f32 v48, v16;
	[tilespmem:s31+$0x16100] =	vst v52  }
0x1ef: {  	v4 =	vadd.f32 v40, v4;
	v7 =	vadd.f32 v58, v7;
	v8 =	vmul.f32 v13, v8;
	[tilespmem:s31+$0x16080] =	vst v49  }
0x1f0: {  	s2 =	sor.u32 s29, s15;
	v54 =	vadd.f32 v50, v1;
	v5 =	vmul.f32 v47, v29;
	v53 =	vadd.f32 v51, v20;
	[tilespmem:s0+$0x16100] =	vst v6  }
0x1f1: {  	s13 =	sand.u32 $0x3, s4;
	v60 =	vmul.f32 v32, v25;
	v2 =	vadd.f32 v57, v0;
	v56 =	vadd.f32 v8, v12;
	[tilespmem:s2+$0x280] =	vst v7  }
0x1f2: {  	s15 =	sor.u32 s30, s15;
	v55 =	vmul.f32 v23, v34;
	s0 =	sshll.u32 s13, $0x5;
	v1 =	vadd.f32 v5, v54;
	[tilespmem:s2+$0x200] =	vst v53  }
0x1f3: {  	v61 =	vadd.f32 v38, v0;
	v62 =	vmul.f32 v4, v26;
	v2 =	vadd.f32 v60, v2;
	s0 =	sadd.s32 s0, s3;
	[tilespmem:s15+$0x200] =	vst v56  }
0x1f4: {  	v59 =	vmul.f32 v10, v28;
	v3 =	vadd.f32 v55, v24;
	s22 =	sadd.s32 $0x10, s0;
	[tilespmem:s15+$0x280] =	vst v1;
	s30 =	sor.u32 $0x300, s0  }
0x1f5: {  	v0 =	vadd.f32 v62, v61;
	s24 =	sor.u32 $0x300, s22;
	[tilespmem:s30+$0x16000] =	vst v2  }
0x1f6: {  	v63 =	vadd.f32 v59, v11;
	s0 =	sor.u32 $0x380, s0;
	[tilespmem:s24+$0x16000] =	vst v3  }
0x1f7: {  	s29 =	sor.u32 $0x380, s22;
	[tilespmem:s0+$0x16000] =	vst v0  }
0x1f8: {  	[tilespmem:s29+$0x16000] =	vst v63  }
0x1f9: {  	s28 =	sadd.s32 $0x1, s28;
	s31 =	simm.s32 $0x16000;
	s0 =	rddreg [dreg:$0xe]  }
0x1fa: {  	[hbm4b:s0+s1] =	stream.linear.scatter [tilespmem:s31], [sflag:$0x7], $0x8000, $0x38;
	[tilespmem:$0x1E000] =	vst v63  }
0x1fb: {  	p0 =	sne.s32 s28, s14;
	_ =	swait.ge [sflag:s25], $0x8000  }
.Ltmp4:
0x1fc: {  	[sflag:s25] =	ssyncset.done $0x0;
	(pc) =	sbr.rel @p0 .LBB2_1-.Ltmp4, $4  }
0x1fd: {  	[sflag:s25] =	ssyncadd.s32 $0xFFFF8000  }
0x1fe: {  	_ =	swait.ge [sflag:s26], $0x8000  }
0x1ff: {  	[sflag:s26] =	ssyncset.done $0x0  }
0x200: {  	[sflag:s26] =	ssyncadd.s32 $0xFFFF8000  }
0x201: {  	_ =	sfence.sel $0x180000  }
0x202: {  	[bflag:$0x0] =	sbarrier.arrive $0xFFFF  }
0x203: {  	_ =	strace $0x90000047  }
0x204: {  	s0 =	stileid.u32;
	[bflag:$0x2] =	sbarrier.arrive $0xFFFF  }
0x205: {  	p0 =	sne.s32 s0, $0x0;
	s0 =	rddreg [dreg:$0x3]  }
0x206: {  	s0 =	sadd.s32 @!p0 $0x100000, s0  }
0x207: {  	[sflag:s0] =	ssyncadd.tile.s32 @!p0 $0x1;
	_ =	shalt  }
.Lfunc_end2:
_tile_overlayer_lowered:
.L_overlay_start_2:
0x208: {  	(tag) =	ssettag $0x2  }
0x209: {  	s0 =	rddreg [dreg:$0x0];
	s2 =	stileid.u32  }
0x20a: {  	s1 =	rddreg [dreg:$0x1];
	p0 =	sne.s32 s2, $0x0  }
0x20b: {  	s3 =	rddreg [dreg:$0x2];
	[bflag:$0x3] =	sbarrier.arrive $0xFFFF;
	s2 =	simm.s32 @!p0 $0x1C08  }
0x20c: {  	[timem:s3], [sflag:s2] =	dma.local @!p0 [hbm:s0], s1  }
0x20d: {  	s0 =	simm.s32 @!p0 $0x8  }
0x20e: {  	_ =	swait.ge @!p0 [sflag:s0], s1  }
0x20f: {  	s1 =	ssub.s32 @!p0 $0x0, s1;
	[sflag:s0] =	ssyncset.done @!p0 $0x0  }
0x210: {  	[sflag:s0] =	ssyncadd.s32 @!p0 s1  }
0x211: {  	[bflag:$0x3] =	sbarrier.arrive $0xFFFF  }
0x212: {  	_ =	shalt  }

</sc_bundles>
